<compile_context>
chip_gen: v7x
topology: tpu7x:2x2x1
jax: 0.10.2.dev20260603
libtpu: 0.0.44.dev20260713+nightly
codegen_flags: <defaults>
</compile_context>

<pallas_src>
import dataclasses
import functools

import jax
import jax.numpy as jnp
from jax.experimental import pallas as pl
from jax.experimental.pallas import tpu as pltpu
from jax.experimental.pallas import tpu_sc as plsc

L = 16
R = 4
NBUF_IN = 8


def kernel(x, perm):
    B, D = x.shape
    perm = perm.astype(jnp.int32)

    mesh = plsc.VectorSubcoreMesh(core_axis_name="c", subcore_axis_name="s")

    cp = pltpu.CompilerParams()
    if "needs_layout_passes" in pltpu.CompilerParams.__dataclass_fields__:
        cp = dataclasses.replace(cp, needs_layout_passes=False)

    @functools.partial(
        pl.kernel,
        out_type=jax.ShapeDtypeStruct((B, D), x.dtype),
        mesh=mesh,
        compiler_params=cp,
        scratch_types=[
            pltpu.VMEM((D,), jnp.int32),
            pltpu.SemaphoreType.DMA,
        ],
    )
    def permute_kernel(x_hbm, perm_hbm, out_hbm, perm_v, sem):
        pltpu.async_copy(perm_hbm, perm_v, sem).wait()

        def body(in_v, out_v):
            @plsc.parallel_loop(0, D // L, unroll=4)
            def _(c):
                base = c * L
                pj = perm_v[pl.ds(base, L)]
                for r in range(R):
                    out_v[r, pl.ds(base, L)] = plsc.load_gather(
                        in_v, [jnp.full((L,), r, jnp.int32), pj]
                    )

        nw = 32
        bpw = B // R // nw
        pltpu.emit_pipeline(
            body,
            grid=(nw, bpw),
            in_specs=[pl.BlockSpec((R, D), lambda i, j: (i * bpw + j, 0),
                                   pipeline_mode=pl.Buffered(buffer_count=NBUF_IN))],
            out_specs=[pl.BlockSpec((R, D), lambda i, j: (i * bpw + j, 0))],
            core_axis_name=("c", "s"),
            dimension_semantics=(pltpu.PARALLEL, pltpu.ARBITRARY),
        )(x_hbm, out_hbm)

    out = permute_kernel(x, perm)
    aux = jnp.zeros(B, dtype=x.dtype)
    return (out, aux)

# --- scband reference (transcript-rebuilt; emitter-appended) ---
"""Pipeline reference for scband-permutation-8735963480713 (READ-ONLY COPY).

The authoritative reference and input builder live on the scoring server;
editing this copy changes nothing except your own understanding.
"""

import jax, jax.numpy as jnp
import numpy as np

DIM = 2048
BATCH = 16384
SEED = 114

def setup_inputs(seed: int = 0) -> dict:
    key = jax.random.key(seed)
    kx, = jax.random.split(key, 1)
    x = jax.random.normal(kx, (BATCH, DIM), dtype=jnp.float32)
    # Fixed permutation buffer, analogous to torch.randperm(dim, generator=seed(114))
    perm = jax.random.permutation(jax.random.key(SEED), DIM)
    return {"x": x, "perm": perm}

def reference(x, perm):
    # forward(x, reverse=False): column permutation gather + zero logdet aux output
    out = jnp.take(x, perm, axis=1)
    aux = jnp.zeros(x.shape[0], dtype=x.dtype)
    return (out, aux)

if __name__ == "__main__":
    import jax
    _d = setup_inputs()
    print(jax.jit(kernel)(*tuple(_d.values())))

</pallas_src>

<mosaic_0001>
#map = affine_map<(d0, d1) -> (0, 0)>
#map1 = affine_map<(d0, d1) -> (0)>
module attributes {stable_mosaic.version = 14 : i64} {
  func.func @permute_kernel(%arg0: i32, %arg1: i32, %arg2: memref<16384x2048xf32, #tpu.memory_space<hbm>>, %arg3: memref<2048xi32, #tpu.memory_space<hbm>>, %arg4: memref<16384x2048xf32, #tpu.memory_space<hbm>>, %arg5: memref<2048xi32, #tpu.memory_space<vmem>>, %arg6: memref<!tpu.dma_semaphore, #tpu.memory_space<semaphore_mem>>) attributes {dimension_semantics = [#tpu.dimension_semantics<core_parallel>, #tpu.dimension_semantics<subcore_parallel>], iteration_bounds = array<i64: 2, 16>, scalar_prefetch = 0 : i64, scratch_operands = 2 : i64, tpu.core_type = #tpu.core_type<sc_vector_subcore>, window_params = [{transform_indices = #map}, {transform_indices = #map1}, {transform_indices = #map}]} {
    tpu.enqueue_dma source(%arg3 : memref<2048xi32, #tpu.memory_space<hbm>>) target(%arg5 : memref<2048xi32, #tpu.memory_space<vmem>>) target_semaphore(%arg6 : memref<!tpu.dma_semaphore, #tpu.memory_space<semaphore_mem>>)
    tpu.wait_dma2 semaphore(%arg6 : memref<!tpu.dma_semaphore, #tpu.memory_space<semaphore_mem>>) src(%arg3 : memref<2048xi32, #tpu.memory_space<hbm>>) dst(%arg5 : memref<2048xi32, #tpu.memory_space<vmem>>)
    %mul3A = arith.constant 1 : i32
    %mul3A_0 = arith.muli %arg1, %mul3A : i32
    %add3A = arith.constant 0 : i32
    %add3A_1 = arith.addi %add3A, %mul3A_0 : i32
    %mul3A_2 = arith.constant 16 : i32
    %mul3A_3 = arith.muli %arg0, %mul3A_2 : i32
    %add3A_4 = arith.addi %add3A_1, %mul3A_3 : i32
    %mul3A_5 = arith.constant 1 : i32
    %mul3A_6 = arith.muli %add3A_4, %mul3A_5 : i32
    "tpu.region"() ({
      %run_scoped3A = memref.alloca() : memref<8x4x2048xf32, #tpu.memory_space<vmem>>
      %run_scoped3A_7 = tpu.sem_alloc : memref<8x!tpu.dma_semaphore, #tpu.memory_space<semaphore_mem>>
      %run_scoped3A_8 = memref.alloca() : memref<2x4x2048xf32, #tpu.memory_space<vmem>>
      %run_scoped3A_9 = tpu.sem_alloc : memref<2x!tpu.dma_semaphore, #tpu.memory_space<semaphore_mem>>
      %add3A_10 = arith.constant 0 : i32
      %add3A_11 = arith.addi %add3A_10, %mul3A_6 : i32
      %select_n3A = arith.constant true
      %select_n3A_12 = arith.constant 0 : i32
      %select_n3A_13 = arith.constant -1 : i32
      %select_n3A_14 = arith.select %select_n3A, %select_n3A_13, %select_n3A_12 : i32
      %eq3A = arith.constant -1 : i32
      %eq3A_15 = arith.cmpi eq, %select_n3A_14, %eq3A : i32
      %select_n3A_16 = arith.constant 127 : i32
      %select_n3A_17 = arith.select %eq3A_15, %select_n3A_16, %select_n3A_14 : i32
      %select_n3A_18 = arith.constant 0 : i32
      %select_n3A_19 = arith.constant -1 : i32
      %select_n3A_20 = arith.select %eq3A_15, %select_n3A_19, %select_n3A_18 : i32
      %eq3A_21 = arith.constant -1 : i32
      %eq3A_22 = arith.cmpi eq, %select_n3A_20, %eq3A_21 : i32
      %select_n3A_23 = arith.constant 0 : i32
      %select_n3A_24 = arith.select %eq3A_22, %select_n3A_23, %select_n3A_20 : i32
      %add3A_25 = arith.constant 0 : i32
      %add3A_26 = arith.addi %add3A_25, %mul3A_6 : i32
      %add3A_27 = arith.constant 0 : i32
      %add3A_28 = arith.addi %select_n3A_17, %add3A_27 : i32
      %select_n3A_29 = arith.constant true
      %select_n3A_30 = arith.constant 0 : i32
      %select_n3A_31 = arith.constant 1 : i32
      %select_n3A_32 = arith.select %select_n3A_29, %select_n3A_31, %select_n3A_30 : i32
      %eq3A_33 = arith.constant 128 : i32
      %eq3A_34 = arith.cmpi eq, %select_n3A_32, %eq3A_33 : i32
      %select_n3A_35 = arith.constant 0 : i32
      %select_n3A_36 = arith.select %eq3A_34, %select_n3A_35, %select_n3A_32 : i32
      %select_n3A_37 = arith.constant 0 : i32
      %select_n3A_38 = arith.constant 1 : i32
      %select_n3A_39 = arith.select %eq3A_34, %select_n3A_38, %select_n3A_37 : i32
      %eq3A_40 = arith.constant 1 : i32
      %eq3A_41 = arith.cmpi eq, %select_n3A_39, %eq3A_40 : i32
      %select_n3A_42 = arith.constant 0 : i32
      %select_n3A_43 = arith.select %eq3A_41, %select_n3A_42, %select_n3A_39 : i32
      %add3A_44 = arith.constant 0 : i32
      %add3A_45 = arith.addi %add3A_44, %mul3A_6 : i32
      %add3A_46 = arith.constant 0 : i32
      %add3A_47 = arith.addi %select_n3A_36, %add3A_46 : i32
      %add3A_48 = arith.constant 1 : i32
      %add3A_49 = arith.addi %select_n3A_36, %add3A_48 : i32
      %select_n3A_50 = arith.constant true
      %select_n3A_51 = arith.select %select_n3A_50, %add3A_49, %select_n3A_36 : i32
      %eq3A_52 = arith.constant 128 : i32
      %eq3A_53 = arith.cmpi eq, %select_n3A_51, %eq3A_52 : i32
      %select_n3A_54 = arith.constant 0 : i32
      %select_n3A_55 = arith.select %eq3A_53, %select_n3A_54, %select_n3A_51 : i32
      %select_n3A_56 = arith.constant 0 : i32
      %select_n3A_57 = arith.constant 1 : i32
      %select_n3A_58 = arith.select %eq3A_53, %select_n3A_57, %select_n3A_56 : i32
      %eq3A_59 = arith.constant 1 : i32
      %eq3A_60 = arith.cmpi eq, %select_n3A_58, %eq3A_59 : i32
      %select_n3A_61 = arith.constant 0 : i32
      %select_n3A_62 = arith.select %eq3A_60, %select_n3A_61, %select_n3A_58 : i32
      %add3A_63 = arith.constant 0 : i32
      %add3A_64 = arith.addi %add3A_63, %mul3A_6 : i32
      %add3A_65 = arith.constant 0 : i32
      %add3A_66 = arith.addi %select_n3A_55, %add3A_65 : i32
      %add3A_67 = arith.constant 1 : i32
      %add3A_68 = arith.addi %select_n3A_55, %add3A_67 : i32
      %select_n3A_69 = arith.constant true
      %select_n3A_70 = arith.select %select_n3A_69, %add3A_68, %select_n3A_55 : i32
      %eq3A_71 = arith.constant 128 : i32
      %eq3A_72 = arith.cmpi eq, %select_n3A_70, %eq3A_71 : i32
      %select_n3A_73 = arith.constant 0 : i32
      %select_n3A_74 = arith.select %eq3A_72, %select_n3A_73, %select_n3A_70 : i32
      %select_n3A_75 = arith.constant 0 : i32
      %select_n3A_76 = arith.constant 1 : i32
      %select_n3A_77 = arith.select %eq3A_72, %select_n3A_76, %select_n3A_75 : i32
      %eq3A_78 = arith.constant 1 : i32
      %eq3A_79 = arith.cmpi eq, %select_n3A_77, %eq3A_78 : i32
      %select_n3A_80 = arith.constant 0 : i32
      %select_n3A_81 = arith.select %eq3A_79, %select_n3A_80, %select_n3A_77 : i32
      %add3A_82 = arith.constant 0 : i32
      %add3A_83 = arith.addi %add3A_82, %mul3A_6 : i32
      %add3A_84 = arith.constant 0 : i32
      %add3A_85 = arith.addi %select_n3A_74, %add3A_84 : i32
      %add3A_86 = arith.constant 1 : i32
      %add3A_87 = arith.addi %select_n3A_74, %add3A_86 : i32
      %select_n3A_88 = arith.constant true
      %select_n3A_89 = arith.select %select_n3A_88, %add3A_87, %select_n3A_74 : i32
      %eq3A_90 = arith.constant 128 : i32
      %eq3A_91 = arith.cmpi eq, %select_n3A_89, %eq3A_90 : i32
      %select_n3A_92 = arith.constant 0 : i32
      %select_n3A_93 = arith.select %eq3A_91, %select_n3A_92, %select_n3A_89 : i32
      %select_n3A_94 = arith.constant 0 : i32
      %select_n3A_95 = arith.constant 1 : i32
      %select_n3A_96 = arith.select %eq3A_91, %select_n3A_95, %select_n3A_94 : i32
      %eq3A_97 = arith.constant 1 : i32
      %eq3A_98 = arith.cmpi eq, %select_n3A_96, %eq3A_97 : i32
      %select_n3A_99 = arith.constant 0 : i32
      %select_n3A_100 = arith.select %eq3A_98, %select_n3A_99, %select_n3A_96 : i32
      %add3A_101 = arith.constant 0 : i32
      %add3A_102 = arith.addi %add3A_101, %mul3A_6 : i32
      %add3A_103 = arith.constant 0 : i32
      %add3A_104 = arith.addi %select_n3A_93, %add3A_103 : i32
      %add3A_105 = arith.constant 1 : i32
      %add3A_106 = arith.addi %select_n3A_93, %add3A_105 : i32
      %select_n3A_107 = arith.constant true
      %select_n3A_108 = arith.select %select_n3A_107, %add3A_106, %select_n3A_93 : i32
      %eq3A_109 = arith.constant 128 : i32
      %eq3A_110 = arith.cmpi eq, %select_n3A_108, %eq3A_109 : i32
      %select_n3A_111 = arith.constant 0 : i32
      %select_n3A_112 = arith.select %eq3A_110, %select_n3A_111, %select_n3A_108 : i32
      %select_n3A_113 = arith.constant 0 : i32
      %select_n3A_114 = arith.constant 1 : i32
      %select_n3A_115 = arith.select %eq3A_110, %select_n3A_114, %select_n3A_113 : i32
      %eq3A_116 = arith.constant 1 : i32
      %eq3A_117 = arith.cmpi eq, %select_n3A_115, %eq3A_116 : i32
      %select_n3A_118 = arith.constant 0 : i32
      %select_n3A_119 = arith.select %eq3A_117, %select_n3A_118, %select_n3A_115 : i32
      %add3A_120 = arith.constant 0 : i32
      %add3A_121 = arith.addi %add3A_120, %mul3A_6 : i32
      %add3A_122 = arith.constant 0 : i32
      %add3A_123 = arith.addi %select_n3A_112, %add3A_122 : i32
      %add3A_124 = arith.constant 1 : i32
      %add3A_125 = arith.addi %select_n3A_112, %add3A_124 : i32
      %select_n3A_126 = arith.constant true
      %select_n3A_127 = arith.select %select_n3A_126, %add3A_125, %select_n3A_112 : i32
      %eq3A_128 = arith.constant 128 : i32
      %eq3A_129 = arith.cmpi eq, %select_n3A_127, %eq3A_128 : i32
      %select_n3A_130 = arith.constant 0 : i32
      %select_n3A_131 = arith.select %eq3A_129, %select_n3A_130, %select_n3A_127 : i32
      %select_n3A_132 = arith.constant 0 : i32
      %select_n3A_133 = arith.constant 1 : i32
      %select_n3A_134 = arith.select %eq3A_129, %select_n3A_133, %select_n3A_132 : i32
      %eq3A_135 = arith.constant 1 : i32
      %eq3A_136 = arith.cmpi eq, %select_n3A_134, %eq3A_135 : i32
      %select_n3A_137 = arith.constant 0 : i32
      %select_n3A_138 = arith.select %eq3A_136, %select_n3A_137, %select_n3A_134 : i32
      %add3A_139 = arith.constant 0 : i32
      %add3A_140 = arith.addi %add3A_139, %mul3A_6 : i32
      %add3A_141 = arith.constant 0 : i32
      %add3A_142 = arith.addi %select_n3A_131, %add3A_141 : i32
      %add3A_143 = arith.constant 1 : i32
      %add3A_144 = arith.addi %select_n3A_131, %add3A_143 : i32
      %select_n3A_145 = arith.constant true
      %select_n3A_146 = arith.select %select_n3A_145, %add3A_144, %select_n3A_131 : i32
      %eq3A_147 = arith.constant 128 : i32
      %eq3A_148 = arith.cmpi eq, %select_n3A_146, %eq3A_147 : i32
      %select_n3A_149 = arith.constant 0 : i32
      %select_n3A_150 = arith.select %eq3A_148, %select_n3A_149, %select_n3A_146 : i32
      %select_n3A_151 = arith.constant 0 : i32
      %select_n3A_152 = arith.constant 1 : i32
      %select_n3A_153 = arith.select %eq3A_148, %select_n3A_152, %select_n3A_151 : i32
      %eq3A_154 = arith.constant 1 : i32
      %eq3A_155 = arith.cmpi eq, %select_n3A_153, %eq3A_154 : i32
      %select_n3A_156 = arith.constant 0 : i32
      %select_n3A_157 = arith.select %eq3A_155, %select_n3A_156, %select_n3A_153 : i32
      %add3A_158 = arith.constant 0 : i32
      %add3A_159 = arith.addi %add3A_158, %mul3A_6 : i32
      %add3A_160 = arith.constant 0 : i32
      %add3A_161 = arith.addi %select_n3A_150, %add3A_160 : i32
      %add3A_162 = arith.constant 1 : i32
      %add3A_163 = arith.addi %select_n3A_150, %add3A_162 : i32
      %select_n3A_164 = arith.constant true
      %select_n3A_165 = arith.select %select_n3A_164, %add3A_163, %select_n3A_150 : i32
      %eq3A_166 = arith.constant 128 : i32
      %eq3A_167 = arith.cmpi eq, %select_n3A_165, %eq3A_166 : i32
      %select_n3A_168 = arith.constant 0 : i32
      %select_n3A_169 = arith.select %eq3A_167, %select_n3A_168, %select_n3A_165 : i32
      %select_n3A_170 = arith.constant 0 : i32
      %select_n3A_171 = arith.constant 1 : i32
      %select_n3A_172 = arith.select %eq3A_167, %select_n3A_171, %select_n3A_170 : i32
      %eq3A_173 = arith.constant 1 : i32
      %eq3A_174 = arith.cmpi eq, %select_n3A_172, %eq3A_173 : i32
      %select_n3A_175 = arith.constant 0 : i32
      %select_n3A_176 = arith.select %eq3A_174, %select_n3A_175, %select_n3A_172 : i32
      %add3A_177 = arith.constant 0 : i32
      %add3A_178 = arith.addi %add3A_177, %mul3A_6 : i32
      %add3A_179 = arith.constant 0 : i32
      %add3A_180 = arith.addi %select_n3A_169, %add3A_179 : i32
      "tpu.trace_start"() <{level = 10 : i32, message = "ep_initialize_0"}> : () -> ()
      %rem3A = arith.constant 0 : i32
      %rem3A_181 = arith.constant 8 : i32
      %rem3A_182 = arith.remui %rem3A, %rem3A_181 : i32
      %mul3A_183 = arith.constant 128 : i32
      %mul3A_184 = arith.muli %add3A_11, %mul3A_183 : i32
      %add3A_185 = arith.constant 0 : i32
      %add3A_186 = arith.addi %mul3A_184, %add3A_185 : i32
      %mul3A_187 = arith.constant 4 : i32
      %mul3A_188 = arith.muli %mul3A_187, %add3A_186 : i32
      %dma_start3A = arith.constant 0 : i32
      %dma_start3A_189 = arith.constant 0 : i32
      %dma_start3A_190 = tpu.memref_slice %run_scoped3A[%rem3A_182, %dma_start3A, %dma_start3A_189] : memref<8x4x2048xf32, #tpu.memory_space<vmem>> -> memref<1x4x2048xf32, #tpu.memory_space<vmem>>
      %dma_start3A_191 = tpu.memref_squeeze %dma_start3A_190 : memref<1x4x2048xf32, #tpu.memory_space<vmem>> -> memref<4x2048xf32, #tpu.memory_space<vmem>>
      %dma_start3A_192 = arith.constant 0 : i32
      %dma_start3A_193 = tpu.memref_slice %arg2[%mul3A_188, %dma_start3A_192] : memref<16384x2048xf32, #tpu.memory_space<hbm>> -> memref<4x2048xf32, #tpu.memory_space<hbm>>
      %dma_start3A_194 = tpu.memref_slice %run_scoped3A_7[%rem3A_182] : memref<8x!tpu.dma_semaphore, #tpu.memory_space<semaphore_mem>> -> memref<1x!tpu.dma_semaphore, #tpu.memory_space<semaphore_mem>>
      %dma_start3A_195 = tpu.memref_squeeze %dma_start3A_194 : memref<1x!tpu.dma_semaphore, #tpu.memory_space<semaphore_mem>> -> memref<!tpu.dma_semaphore, #tpu.memory_space<semaphore_mem>>
      %dma_start3A_196 = arith.constant 0 : i32
      %dma_start3A_197 = arith.constant 0 : i32
      %dma_start3A_198 = tpu.memref_slice %run_scoped3A[%rem3A_182, %dma_start3A_196, %dma_start3A_197] : memref<8x4x2048xf32, #tpu.memory_space<vmem>> -> memref<1x4x2048xf32, #tpu.memory_space<vmem>>
      %dma_start3A_199 = tpu.memref_squeeze %dma_start3A_198 : memref<1x4x2048xf32, #tpu.memory_space<vmem>> -> memref<4x2048xf32, #tpu.memory_space<vmem>>
      %dma_start3A_200 = arith.constant 0 : i32
      %dma_start3A_201 = tpu.memref_slice %arg2[%mul3A_188, %dma_start3A_200] : memref<16384x2048xf32, #tpu.memory_space<hbm>> -> memref<4x2048xf32, #tpu.memory_space<hbm>>
      tpu.enqueue_dma source(%dma_start3A_201 : memref<4x2048xf32, #tpu.memory_space<hbm>>) target(%dma_start3A_199 : memref<4x2048xf32, #tpu.memory_space<vmem>>) target_semaphore(%dma_start3A_195 : memref<!tpu.dma_semaphore, #tpu.memory_space<semaphore_mem>>)
      %add3A_202 = arith.constant 0 : i32
      %add3A_203 = arith.constant 1 : i32
      %add3A_204 = arith.addi %add3A_202, %add3A_203 : i32
      %select_n3A_205 = arith.constant true
      %select_n3A_206 = arith.constant 0 : i32
      %select_n3A_207 = arith.select %select_n3A_205, %add3A_204, %select_n3A_206 : i32
      "tpu.trace_stop"() : () -> ()
      "tpu.trace_start"() <{level = 10 : i32, message = "ep_initialize_1"}> : () -> ()
      %mul3A_208 = arith.constant 128 : i32
      %mul3A_209 = arith.muli %add3A_45, %mul3A_208 : i32
      %add3A_210 = arith.addi %mul3A_209, %add3A_47 : i32
      %mul3A_211 = arith.constant 128 : i32
      %mul3A_212 = arith.muli %add3A_11, %mul3A_211 : i32
      %add3A_213 = arith.constant 0 : i32
      %add3A_214 = arith.addi %mul3A_212, %add3A_213 : i32
      %ne3A = arith.cmpi ne, %add3A_210, %add3A_214 : i32
      %or3A = arith.constant false
      %or3A_215 = arith.ori %or3A, %ne3A : i1
      %or3A_216 = arith.constant false
      %or3A_217 = arith.ori %or3A_215, %or3A_216 : i1
      %and3A = arith.constant true
      %and3A_218 = arith.andi %and3A, %or3A_217 : i1
      %convert_element_type3A = arith.extui %and3A_218 : i1 to i32
      %cond3A = arith.constant 0 : i32
      %cond3A_219 = arith.cmpi ne, %convert_element_type3A, %cond3A : i32
      scf.if %cond3A_219 {
        %rem3A_537 = arith.constant 8 : i32
        %rem3A_538 = arith.remui %select_n3A_207, %rem3A_537 : i32
        %mul3A_539 = arith.constant 128 : i32
        %mul3A_540 = arith.muli %add3A_45, %mul3A_539 : i32
        %add3A_541 = arith.addi %mul3A_540, %add3A_47 : i32
        %mul3A_542 = arith.constant 4 : i32
        %mul3A_543 = arith.muli %mul3A_542, %add3A_541 : i32
        %dma_start3A_544 = arith.constant 0 : i32
        %dma_start3A_545 = arith.constant 0 : i32
        %dma_start3A_546 = tpu.memref_slice %run_scoped3A[%rem3A_538, %dma_start3A_544, %dma_start3A_545] : memref<8x4x2048xf32, #tpu.memory_space<vmem>> -> memref<1x4x2048xf32, #tpu.memory_space<vmem>>
        %dma_start3A_547 = tpu.memref_squeeze %dma_start3A_546 : memref<1x4x2048xf32, #tpu.memory_space<vmem>> -> memref<4x2048xf32, #tpu.memory_space<vmem>>
        %dma_start3A_548 = arith.constant 0 : i32
        %dma_start3A_549 = tpu.memref_slice %arg2[%mul3A_543, %dma_start3A_548] : memref<16384x2048xf32, #tpu.memory_space<hbm>> -> memref<4x2048xf32, #tpu.memory_space<hbm>>
        %dma_start3A_550 = tpu.memref_slice %run_scoped3A_7[%rem3A_538] : memref<8x!tpu.dma_semaphore, #tpu.memory_space<semaphore_mem>> -> memref<1x!tpu.dma_semaphore, #tpu.memory_space<semaphore_mem>>
        %dma_start3A_551 = tpu.memref_squeeze %dma_start3A_550 : memref<1x!tpu.dma_semaphore, #tpu.memory_space<semaphore_mem>> -> memref<!tpu.dma_semaphore, #tpu.memory_space<semaphore_mem>>
        %dma_start3A_552 = arith.constant 0 : i32
        %dma_start3A_553 = arith.constant 0 : i32
        %dma_start3A_554 = tpu.memref_slice %run_scoped3A[%rem3A_538, %dma_start3A_552, %dma_start3A_553] : memref<8x4x2048xf32, #tpu.memory_space<vmem>> -> memref<1x4x2048xf32, #tpu.memory_space<vmem>>
        %dma_start3A_555 = tpu.memref_squeeze %dma_start3A_554 : memref<1x4x2048xf32, #tpu.memory_space<vmem>> -> memref<4x2048xf32, #tpu.memory_space<vmem>>
        %dma_start3A_556 = arith.constant 0 : i32
        %dma_start3A_557 = tpu.memref_slice %arg2[%mul3A_543, %dma_start3A_556] : memref<16384x2048xf32, #tpu.memory_space<hbm>> -> memref<4x2048xf32, #tpu.memory_space<hbm>>
        tpu.enqueue_dma source(%dma_start3A_557 : memref<4x2048xf32, #tpu.memory_space<hbm>>) target(%dma_start3A_555 : memref<4x2048xf32, #tpu.memory_space<vmem>>) target_semaphore(%dma_start3A_551 : memref<!tpu.dma_semaphore, #tpu.memory_space<semaphore_mem>>)
      } else {
      }
      %add3A_220 = arith.constant 1 : i32
      %add3A_221 = arith.addi %select_n3A_207, %add3A_220 : i32
      %select_n3A_222 = arith.select %and3A_218, %add3A_221, %select_n3A_207 : i32
      "tpu.trace_stop"() : () -> ()
      "tpu.trace_start"() <{level = 10 : i32, message = "ep_initialize_2"}> : () -> ()
      %mul3A_223 = arith.constant 128 : i32
      %mul3A_224 = arith.muli %add3A_64, %mul3A_223 : i32
      %add3A_225 = arith.addi %mul3A_224, %add3A_66 : i32
      %mul3A_226 = arith.constant 128 : i32
      %mul3A_227 = arith.muli %add3A_45, %mul3A_226 : i32
      %add3A_228 = arith.addi %mul3A_227, %add3A_47 : i32
      %ne3A_229 = arith.cmpi ne, %add3A_225, %add3A_228 : i32
      %or3A_230 = arith.constant false
      %or3A_231 = arith.ori %or3A_230, %ne3A_229 : i1
      %or3A_232 = arith.constant false
      %or3A_233 = arith.ori %or3A_231, %or3A_232 : i1
      %and3A_234 = arith.constant true
      %and3A_235 = arith.andi %and3A_234, %or3A_233 : i1
      %convert_element_type3A_236 = arith.extui %and3A_235 : i1 to i32
      %cond3A_237 = arith.constant 0 : i32
      %cond3A_238 = arith.cmpi ne, %convert_element_type3A_236, %cond3A_237 : i32
      scf.if %cond3A_238 {
        %rem3A_537 = arith.constant 8 : i32
        %rem3A_538 = arith.remui %select_n3A_222, %rem3A_537 : i32
        %mul3A_539 = arith.constant 128 : i32
        %mul3A_540 = arith.muli %add3A_64, %mul3A_539 : i32
        %add3A_541 = arith.addi %mul3A_540, %add3A_66 : i32
        %mul3A_542 = arith.constant 4 : i32
        %mul3A_543 = arith.muli %mul3A_542, %add3A_541 : i32
        %dma_start3A_544 = arith.constant 0 : i32
        %dma_start3A_545 = arith.constant 0 : i32
        %dma_start3A_546 = tpu.memref_slice %run_scoped3A[%rem3A_538, %dma_start3A_544, %dma_start3A_545] : memref<8x4x2048xf32, #tpu.memory_space<vmem>> -> memref<1x4x2048xf32, #tpu.memory_space<vmem>>
        %dma_start3A_547 = tpu.memref_squeeze %dma_start3A_546 : memref<1x4x2048xf32, #tpu.memory_space<vmem>> -> memref<4x2048xf32, #tpu.memory_space<vmem>>
        %dma_start3A_548 = arith.constant 0 : i32
        %dma_start3A_549 = tpu.memref_slice %arg2[%mul3A_543, %dma_start3A_548] : memref<16384x2048xf32, #tpu.memory_space<hbm>> -> memref<4x2048xf32, #tpu.memory_space<hbm>>
        %dma_start3A_550 = tpu.memref_slice %run_scoped3A_7[%rem3A_538] : memref<8x!tpu.dma_semaphore, #tpu.memory_space<semaphore_mem>> -> memref<1x!tpu.dma_semaphore, #tpu.memory_space<semaphore_mem>>
        %dma_start3A_551 = tpu.memref_squeeze %dma_start3A_550 : memref<1x!tpu.dma_semaphore, #tpu.memory_space<semaphore_mem>> -> memref<!tpu.dma_semaphore, #tpu.memory_space<semaphore_mem>>
        %dma_start3A_552 = arith.constant 0 : i32
        %dma_start3A_553 = arith.constant 0 : i32
        %dma_start3A_554 = tpu.memref_slice %run_scoped3A[%rem3A_538, %dma_start3A_552, %dma_start3A_553] : memref<8x4x2048xf32, #tpu.memory_space<vmem>> -> memref<1x4x2048xf32, #tpu.memory_space<vmem>>
        %dma_start3A_555 = tpu.memref_squeeze %dma_start3A_554 : memref<1x4x2048xf32, #tpu.memory_space<vmem>> -> memref<4x2048xf32, #tpu.memory_space<vmem>>
        %dma_start3A_556 = arith.constant 0 : i32
        %dma_start3A_557 = tpu.memref_slice %arg2[%mul3A_543, %dma_start3A_556] : memref<16384x2048xf32, #tpu.memory_space<hbm>> -> memref<4x2048xf32, #tpu.memory_space<hbm>>
        tpu.enqueue_dma source(%dma_start3A_557 : memref<4x2048xf32, #tpu.memory_space<hbm>>) target(%dma_start3A_555 : memref<4x2048xf32, #tpu.memory_space<vmem>>) target_semaphore(%dma_start3A_551 : memref<!tpu.dma_semaphore, #tpu.memory_space<semaphore_mem>>)
      } else {
      }
      %add3A_239 = arith.constant 1 : i32
      %add3A_240 = arith.addi %select_n3A_222, %add3A_239 : i32
      %select_n3A_241 = arith.select %and3A_235, %add3A_240, %select_n3A_222 : i32
      "tpu.trace_stop"() : () -> ()
      "tpu.trace_start"() <{level = 10 : i32, message = "ep_initialize_3"}> : () -> ()
      %mul3A_242 = arith.constant 128 : i32
      %mul3A_243 = arith.muli %add3A_83, %mul3A_242 : i32
      %add3A_244 = arith.addi %mul3A_243, %add3A_85 : i32
      %mul3A_245 = arith.constant 128 : i32
      %mul3A_246 = arith.muli %add3A_64, %mul3A_245 : i32
      %add3A_247 = arith.addi %mul3A_246, %add3A_66 : i32
      %ne3A_248 = arith.cmpi ne, %add3A_244, %add3A_247 : i32
      %or3A_249 = arith.constant false
      %or3A_250 = arith.ori %or3A_249, %ne3A_248 : i1
      %or3A_251 = arith.constant false
      %or3A_252 = arith.ori %or3A_250, %or3A_251 : i1
      %and3A_253 = arith.constant true
      %and3A_254 = arith.andi %and3A_253, %or3A_252 : i1
      %convert_element_type3A_255 = arith.extui %and3A_254 : i1 to i32
      %cond3A_256 = arith.constant 0 : i32
      %cond3A_257 = arith.cmpi ne, %convert_element_type3A_255, %cond3A_256 : i32
      scf.if %cond3A_257 {
        %rem3A_537 = arith.constant 8 : i32
        %rem3A_538 = arith.remui %select_n3A_241, %rem3A_537 : i32
        %mul3A_539 = arith.constant 128 : i32
        %mul3A_540 = arith.muli %add3A_83, %mul3A_539 : i32
        %add3A_541 = arith.addi %mul3A_540, %add3A_85 : i32
        %mul3A_542 = arith.constant 4 : i32
        %mul3A_543 = arith.muli %mul3A_542, %add3A_541 : i32
        %dma_start3A_544 = arith.constant 0 : i32
        %dma_start3A_545 = arith.constant 0 : i32
        %dma_start3A_546 = tpu.memref_slice %run_scoped3A[%rem3A_538, %dma_start3A_544, %dma_start3A_545] : memref<8x4x2048xf32, #tpu.memory_space<vmem>> -> memref<1x4x2048xf32, #tpu.memory_space<vmem>>
        %dma_start3A_547 = tpu.memref_squeeze %dma_start3A_546 : memref<1x4x2048xf32, #tpu.memory_space<vmem>> -> memref<4x2048xf32, #tpu.memory_space<vmem>>
        %dma_start3A_548 = arith.constant 0 : i32
        %dma_start3A_549 = tpu.memref_slice %arg2[%mul3A_543, %dma_start3A_548] : memref<16384x2048xf32, #tpu.memory_space<hbm>> -> memref<4x2048xf32, #tpu.memory_space<hbm>>
        %dma_start3A_550 = tpu.memref_slice %run_scoped3A_7[%rem3A_538] : memref<8x!tpu.dma_semaphore, #tpu.memory_space<semaphore_mem>> -> memref<1x!tpu.dma_semaphore, #tpu.memory_space<semaphore_mem>>
        %dma_start3A_551 = tpu.memref_squeeze %dma_start3A_550 : memref<1x!tpu.dma_semaphore, #tpu.memory_space<semaphore_mem>> -> memref<!tpu.dma_semaphore, #tpu.memory_space<semaphore_mem>>
        %dma_start3A_552 = arith.constant 0 : i32
        %dma_start3A_553 = arith.constant 0 : i32
        %dma_start3A_554 = tpu.memref_slice %run_scoped3A[%rem3A_538, %dma_start3A_552, %dma_start3A_553] : memref<8x4x2048xf32, #tpu.memory_space<vmem>> -> memref<1x4x2048xf32, #tpu.memory_space<vmem>>
        %dma_start3A_555 = tpu.memref_squeeze %dma_start3A_554 : memref<1x4x2048xf32, #tpu.memory_space<vmem>> -> memref<4x2048xf32, #tpu.memory_space<vmem>>
        %dma_start3A_556 = arith.constant 0 : i32
        %dma_start3A_557 = tpu.memref_slice %arg2[%mul3A_543, %dma_start3A_556] : memref<16384x2048xf32, #tpu.memory_space<hbm>> -> memref<4x2048xf32, #tpu.memory_space<hbm>>
        tpu.enqueue_dma source(%dma_start3A_557 : memref<4x2048xf32, #tpu.memory_space<hbm>>) target(%dma_start3A_555 : memref<4x2048xf32, #tpu.memory_space<vmem>>) target_semaphore(%dma_start3A_551 : memref<!tpu.dma_semaphore, #tpu.memory_space<semaphore_mem>>)
      } else {
      }
      %add3A_258 = arith.constant 1 : i32
      %add3A_259 = arith.addi %select_n3A_241, %add3A_258 : i32
      %select_n3A_260 = arith.select %and3A_254, %add3A_259, %select_n3A_241 : i32
      "tpu.trace_stop"() : () -> ()
      "tpu.trace_start"() <{level = 10 : i32, message = "ep_initialize_4"}> : () -> ()
      %mul3A_261 = arith.constant 128 : i32
      %mul3A_262 = arith.muli %add3A_102, %mul3A_261 : i32
      %add3A_263 = arith.addi %mul3A_262, %add3A_104 : i32
      %mul3A_264 = arith.constant 128 : i32
      %mul3A_265 = arith.muli %add3A_83, %mul3A_264 : i32
      %add3A_266 = arith.addi %mul3A_265, %add3A_85 : i32
      %ne3A_267 = arith.cmpi ne, %add3A_263, %add3A_266 : i32
      %or3A_268 = arith.constant false
      %or3A_269 = arith.ori %or3A_268, %ne3A_267 : i1
      %or3A_270 = arith.constant false
      %or3A_271 = arith.ori %or3A_269, %or3A_270 : i1
      %and3A_272 = arith.constant true
      %and3A_273 = arith.andi %and3A_272, %or3A_271 : i1
      %convert_element_type3A_274 = arith.extui %and3A_273 : i1 to i32
      %cond3A_275 = arith.constant 0 : i32
      %cond3A_276 = arith.cmpi ne, %convert_element_type3A_274, %cond3A_275 : i32
      scf.if %cond3A_276 {
        %rem3A_537 = arith.constant 8 : i32
        %rem3A_538 = arith.remui %select_n3A_260, %rem3A_537 : i32
        %mul3A_539 = arith.constant 128 : i32
        %mul3A_540 = arith.muli %add3A_102, %mul3A_539 : i32
        %add3A_541 = arith.addi %mul3A_540, %add3A_104 : i32
        %mul3A_542 = arith.constant 4 : i32
        %mul3A_543 = arith.muli %mul3A_542, %add3A_541 : i32
        %dma_start3A_544 = arith.constant 0 : i32
        %dma_start3A_545 = arith.constant 0 : i32
        %dma_start3A_546 = tpu.memref_slice %run_scoped3A[%rem3A_538, %dma_start3A_544, %dma_start3A_545] : memref<8x4x2048xf32, #tpu.memory_space<vmem>> -> memref<1x4x2048xf32, #tpu.memory_space<vmem>>
        %dma_start3A_547 = tpu.memref_squeeze %dma_start3A_546 : memref<1x4x2048xf32, #tpu.memory_space<vmem>> -> memref<4x2048xf32, #tpu.memory_space<vmem>>
        %dma_start3A_548 = arith.constant 0 : i32
        %dma_start3A_549 = tpu.memref_slice %arg2[%mul3A_543, %dma_start3A_548] : memref<16384x2048xf32, #tpu.memory_space<hbm>> -> memref<4x2048xf32, #tpu.memory_space<hbm>>
        %dma_start3A_550 = tpu.memref_slice %run_scoped3A_7[%rem3A_538] : memref<8x!tpu.dma_semaphore, #tpu.memory_space<semaphore_mem>> -> memref<1x!tpu.dma_semaphore, #tpu.memory_space<semaphore_mem>>
        %dma_start3A_551 = tpu.memref_squeeze %dma_start3A_550 : memref<1x!tpu.dma_semaphore, #tpu.memory_space<semaphore_mem>> -> memref<!tpu.dma_semaphore, #tpu.memory_space<semaphore_mem>>
        %dma_start3A_552 = arith.constant 0 : i32
        %dma_start3A_553 = arith.constant 0 : i32
        %dma_start3A_554 = tpu.memref_slice %run_scoped3A[%rem3A_538, %dma_start3A_552, %dma_start3A_553] : memref<8x4x2048xf32, #tpu.memory_space<vmem>> -> memref<1x4x2048xf32, #tpu.memory_space<vmem>>
        %dma_start3A_555 = tpu.memref_squeeze %dma_start3A_554 : memref<1x4x2048xf32, #tpu.memory_space<vmem>> -> memref<4x2048xf32, #tpu.memory_space<vmem>>
        %dma_start3A_556 = arith.constant 0 : i32
        %dma_start3A_557 = tpu.memref_slice %arg2[%mul3A_543, %dma_start3A_556] : memref<16384x2048xf32, #tpu.memory_space<hbm>> -> memref<4x2048xf32, #tpu.memory_space<hbm>>
        tpu.enqueue_dma source(%dma_start3A_557 : memref<4x2048xf32, #tpu.memory_space<hbm>>) target(%dma_start3A_555 : memref<4x2048xf32, #tpu.memory_space<vmem>>) target_semaphore(%dma_start3A_551 : memref<!tpu.dma_semaphore, #tpu.memory_space<semaphore_mem>>)
      } else {
      }
      %add3A_277 = arith.constant 1 : i32
      %add3A_278 = arith.addi %select_n3A_260, %add3A_277 : i32
      %select_n3A_279 = arith.select %and3A_273, %add3A_278, %select_n3A_260 : i32
      "tpu.trace_stop"() : () -> ()
      "tpu.trace_start"() <{level = 10 : i32, message = "ep_initialize_5"}> : () -> ()
      %mul3A_280 = arith.constant 128 : i32
      %mul3A_281 = arith.muli %add3A_121, %mul3A_280 : i32
      %add3A_282 = arith.addi %mul3A_281, %add3A_123 : i32
      %mul3A_283 = arith.constant 128 : i32
      %mul3A_284 = arith.muli %add3A_102, %mul3A_283 : i32
      %add3A_285 = arith.addi %mul3A_284, %add3A_104 : i32
      %ne3A_286 = arith.cmpi ne, %add3A_282, %add3A_285 : i32
      %or3A_287 = arith.constant false
      %or3A_288 = arith.ori %or3A_287, %ne3A_286 : i1
      %or3A_289 = arith.constant false
      %or3A_290 = arith.ori %or3A_288, %or3A_289 : i1
      %and3A_291 = arith.constant true
      %and3A_292 = arith.andi %and3A_291, %or3A_290 : i1
      %convert_element_type3A_293 = arith.extui %and3A_292 : i1 to i32
      %cond3A_294 = arith.constant 0 : i32
      %cond3A_295 = arith.cmpi ne, %convert_element_type3A_293, %cond3A_294 : i32
      scf.if %cond3A_295 {
        %rem3A_537 = arith.constant 8 : i32
        %rem3A_538 = arith.remui %select_n3A_279, %rem3A_537 : i32
        %mul3A_539 = arith.constant 128 : i32
        %mul3A_540 = arith.muli %add3A_121, %mul3A_539 : i32
        %add3A_541 = arith.addi %mul3A_540, %add3A_123 : i32
        %mul3A_542 = arith.constant 4 : i32
        %mul3A_543 = arith.muli %mul3A_542, %add3A_541 : i32
        %dma_start3A_544 = arith.constant 0 : i32
        %dma_start3A_545 = arith.constant 0 : i32
        %dma_start3A_546 = tpu.memref_slice %run_scoped3A[%rem3A_538, %dma_start3A_544, %dma_start3A_545] : memref<8x4x2048xf32, #tpu.memory_space<vmem>> -> memref<1x4x2048xf32, #tpu.memory_space<vmem>>
        %dma_start3A_547 = tpu.memref_squeeze %dma_start3A_546 : memref<1x4x2048xf32, #tpu.memory_space<vmem>> -> memref<4x2048xf32, #tpu.memory_space<vmem>>
        %dma_start3A_548 = arith.constant 0 : i32
        %dma_start3A_549 = tpu.memref_slice %arg2[%mul3A_543, %dma_start3A_548] : memref<16384x2048xf32, #tpu.memory_space<hbm>> -> memref<4x2048xf32, #tpu.memory_space<hbm>>
        %dma_start3A_550 = tpu.memref_slice %run_scoped3A_7[%rem3A_538] : memref<8x!tpu.dma_semaphore, #tpu.memory_space<semaphore_mem>> -> memref<1x!tpu.dma_semaphore, #tpu.memory_space<semaphore_mem>>
        %dma_start3A_551 = tpu.memref_squeeze %dma_start3A_550 : memref<1x!tpu.dma_semaphore, #tpu.memory_space<semaphore_mem>> -> memref<!tpu.dma_semaphore, #tpu.memory_space<semaphore_mem>>
        %dma_start3A_552 = arith.constant 0 : i32
        %dma_start3A_553 = arith.constant 0 : i32
        %dma_start3A_554 = tpu.memref_slice %run_scoped3A[%rem3A_538, %dma_start3A_552, %dma_start3A_553] : memref<8x4x2048xf32, #tpu.memory_space<vmem>> -> memref<1x4x2048xf32, #tpu.memory_space<vmem>>
        %dma_start3A_555 = tpu.memref_squeeze %dma_start3A_554 : memref<1x4x2048xf32, #tpu.memory_space<vmem>> -> memref<4x2048xf32, #tpu.memory_space<vmem>>
        %dma_start3A_556 = arith.constant 0 : i32
        %dma_start3A_557 = tpu.memref_slice %arg2[%mul3A_543, %dma_start3A_556] : memref<16384x2048xf32, #tpu.memory_space<hbm>> -> memref<4x2048xf32, #tpu.memory_space<hbm>>
        tpu.enqueue_dma source(%dma_start3A_557 : memref<4x2048xf32, #tpu.memory_space<hbm>>) target(%dma_start3A_555 : memref<4x2048xf32, #tpu.memory_space<vmem>>) target_semaphore(%dma_start3A_551 : memref<!tpu.dma_semaphore, #tpu.memory_space<semaphore_mem>>)
      } else {
      }
      %add3A_296 = arith.constant 1 : i32
      %add3A_297 = arith.addi %select_n3A_279, %add3A_296 : i32
      %select_n3A_298 = arith.select %and3A_292, %add3A_297, %select_n3A_279 : i32
      "tpu.trace_stop"() : () -> ()
      "tpu.trace_start"() <{level = 10 : i32, message = "ep_initialize_6"}> : () -> ()
      %mul3A_299 = arith.constant 128 : i32
      %mul3A_300 = arith.muli %add3A_140, %mul3A_299 : i32
      %add3A_301 = arith.addi %mul3A_300, %add3A_142 : i32
      %mul3A_302 = arith.constant 128 : i32
      %mul3A_303 = arith.muli %add3A_121, %mul3A_302 : i32
      %add3A_304 = arith.addi %mul3A_303, %add3A_123 : i32
      %ne3A_305 = arith.cmpi ne, %add3A_301, %add3A_304 : i32
      %or3A_306 = arith.constant false
      %or3A_307 = arith.ori %or3A_306, %ne3A_305 : i1
      %or3A_308 = arith.constant false
      %or3A_309 = arith.ori %or3A_307, %or3A_308 : i1
      %and3A_310 = arith.constant true
      %and3A_311 = arith.andi %and3A_310, %or3A_309 : i1
      %convert_element_type3A_312 = arith.extui %and3A_311 : i1 to i32
      %cond3A_313 = arith.constant 0 : i32
      %cond3A_314 = arith.cmpi ne, %convert_element_type3A_312, %cond3A_313 : i32
      scf.if %cond3A_314 {
        %rem3A_537 = arith.constant 8 : i32
        %rem3A_538 = arith.remui %select_n3A_298, %rem3A_537 : i32
        %mul3A_539 = arith.constant 128 : i32
        %mul3A_540 = arith.muli %add3A_140, %mul3A_539 : i32
        %add3A_541 = arith.addi %mul3A_540, %add3A_142 : i32
        %mul3A_542 = arith.constant 4 : i32
        %mul3A_543 = arith.muli %mul3A_542, %add3A_541 : i32
        %dma_start3A_544 = arith.constant 0 : i32
        %dma_start3A_545 = arith.constant 0 : i32
        %dma_start3A_546 = tpu.memref_slice %run_scoped3A[%rem3A_538, %dma_start3A_544, %dma_start3A_545] : memref<8x4x2048xf32, #tpu.memory_space<vmem>> -> memref<1x4x2048xf32, #tpu.memory_space<vmem>>
        %dma_start3A_547 = tpu.memref_squeeze %dma_start3A_546 : memref<1x4x2048xf32, #tpu.memory_space<vmem>> -> memref<4x2048xf32, #tpu.memory_space<vmem>>
        %dma_start3A_548 = arith.constant 0 : i32
        %dma_start3A_549 = tpu.memref_slice %arg2[%mul3A_543, %dma_start3A_548] : memref<16384x2048xf32, #tpu.memory_space<hbm>> -> memref<4x2048xf32, #tpu.memory_space<hbm>>
        %dma_start3A_550 = tpu.memref_slice %run_scoped3A_7[%rem3A_538] : memref<8x!tpu.dma_semaphore, #tpu.memory_space<semaphore_mem>> -> memref<1x!tpu.dma_semaphore, #tpu.memory_space<semaphore_mem>>
        %dma_start3A_551 = tpu.memref_squeeze %dma_start3A_550 : memref<1x!tpu.dma_semaphore, #tpu.memory_space<semaphore_mem>> -> memref<!tpu.dma_semaphore, #tpu.memory_space<semaphore_mem>>
        %dma_start3A_552 = arith.constant 0 : i32
        %dma_start3A_553 = arith.constant 0 : i32
        %dma_start3A_554 = tpu.memref_slice %run_scoped3A[%rem3A_538, %dma_start3A_552, %dma_start3A_553] : memref<8x4x2048xf32, #tpu.memory_space<vmem>> -> memref<1x4x2048xf32, #tpu.memory_space<vmem>>
        %dma_start3A_555 = tpu.memref_squeeze %dma_start3A_554 : memref<1x4x2048xf32, #tpu.memory_space<vmem>> -> memref<4x2048xf32, #tpu.memory_space<vmem>>
        %dma_start3A_556 = arith.constant 0 : i32
        %dma_start3A_557 = tpu.memref_slice %arg2[%mul3A_543, %dma_start3A_556] : memref<16384x2048xf32, #tpu.memory_space<hbm>> -> memref<4x2048xf32, #tpu.memory_space<hbm>>
        tpu.enqueue_dma source(%dma_start3A_557 : memref<4x2048xf32, #tpu.memory_space<hbm>>) target(%dma_start3A_555 : memref<4x2048xf32, #tpu.memory_space<vmem>>) target_semaphore(%dma_start3A_551 : memref<!tpu.dma_semaphore, #tpu.memory_space<semaphore_mem>>)
      } else {
      }
      %add3A_315 = arith.constant 1 : i32
      %add3A_316 = arith.addi %select_n3A_298, %add3A_315 : i32
      %select_n3A_317 = arith.select %and3A_311, %add3A_316, %select_n3A_298 : i32
      "tpu.trace_stop"() : () -> ()
      %scan3A = arith.constant 0 : i32
      %scan3A_318 = arith.constant 0 : i32
      %scan3A_319 = arith.constant 0 : i32
      %scan3A_320 = arith.constant 0 : i32
      %scan3A_321 = arith.constant 0 : i32
      %scan3A_322 = arith.constant 0 : i32
      %scan3A_323 = arith.constant 128 : i32
      %scan3A_324 = arith.addi %scan3A_322, %scan3A_323 : i32
      %scan3A_325 = arith.constant 1 : i32
      %scan3A_326:6 = scf.for %scan3A_537 = %scan3A_322 to %scan3A_324 step %scan3A_325 iter_args(%scan3A_538 = %select_n3A_317, %scan3A_539 = %scan3A, %scan3A_540 = %scan3A_318, %scan3A_541 = %scan3A_319, %scan3A_542 = %scan3A_320, %scan3A_543 = %scan3A_321) -> (i32, i32, i32, i32, i32, i32)  : i32 {
        %eq3A_544 = arith.constant 0 : i32
        %eq3A_545 = arith.cmpi eq, %scan3A_537, %eq3A_544 : i32
        %eq3A_546 = arith.constant 127 : i32
        %eq3A_547 = arith.cmpi eq, %scan3A_537, %eq3A_546 : i32
        %add3A_548 = arith.constant 0 : i32
        %add3A_549 = arith.addi %add3A_548, %mul3A_6 : i32
        %add3A_550 = arith.constant 0 : i32
        %add3A_551 = arith.addi %scan3A_543, %add3A_550 : i32
        %sub3A_552 = arith.constant 1 : i32
        %sub3A_553 = arith.subi %scan3A_543, %sub3A_552 : i32
        %select_n3A_554 = arith.constant true
        %select_n3A_555 = arith.select %select_n3A_554, %sub3A_553, %scan3A_543 : i32
        %eq3A_556 = arith.constant -1 : i32
        %eq3A_557 = arith.cmpi eq, %select_n3A_555, %eq3A_556 : i32
        %select_n3A_558 = arith.constant 127 : i32
        %select_n3A_559 = arith.select %eq3A_557, %select_n3A_558, %select_n3A_555 : i32
        %select_n3A_560 = arith.constant 0 : i32
        %select_n3A_561 = arith.constant -1 : i32
        %select_n3A_562 = arith.select %eq3A_557, %select_n3A_561, %select_n3A_560 : i32
        %eq3A_563 = arith.constant -1 : i32
        %eq3A_564 = arith.cmpi eq, %select_n3A_562, %eq3A_563 : i32
        %select_n3A_565 = arith.constant 0 : i32
        %select_n3A_566 = arith.select %eq3A_564, %select_n3A_565, %select_n3A_562 : i32
        %add3A_567 = arith.constant 0 : i32
        %add3A_568 = arith.addi %add3A_567, %mul3A_6 : i32
        %add3A_569 = arith.constant 0 : i32
        %add3A_570 = arith.addi %select_n3A_559, %add3A_569 : i32
        %add3A_571 = arith.constant 1 : i32
        %add3A_572 = arith.addi %scan3A_543, %add3A_571 : i32
        %select_n3A_573 = arith.constant true
        %select_n3A_574 = arith.select %select_n3A_573, %add3A_572, %scan3A_543 : i32
        %eq3A_575 = arith.constant 128 : i32
        %eq3A_576 = arith.cmpi eq, %select_n3A_574, %eq3A_575 : i32
        %select_n3A_577 = arith.constant 0 : i32
        %select_n3A_578 = arith.select %eq3A_576, %select_n3A_577, %select_n3A_574 : i32
        %select_n3A_579 = arith.constant 0 : i32
        %select_n3A_580 = arith.constant 1 : i32
        %select_n3A_581 = arith.select %eq3A_576, %select_n3A_580, %select_n3A_579 : i32
        %eq3A_582 = arith.constant 1 : i32
        %eq3A_583 = arith.cmpi eq, %select_n3A_581, %eq3A_582 : i32
        %select_n3A_584 = arith.constant 0 : i32
        %select_n3A_585 = arith.select %eq3A_583, %select_n3A_584, %select_n3A_581 : i32
        %add3A_586 = arith.constant 0 : i32
        %add3A_587 = arith.addi %add3A_586, %mul3A_6 : i32
        %add3A_588 = arith.constant 0 : i32
        %add3A_589 = arith.addi %select_n3A_578, %add3A_588 : i32
        %add3A_590 = arith.constant 1 : i32
        %add3A_591 = arith.addi %select_n3A_578, %add3A_590 : i32
        %select_n3A_592 = arith.constant true
        %select_n3A_593 = arith.select %select_n3A_592, %add3A_591, %select_n3A_578 : i32
        %eq3A_594 = arith.constant 128 : i32
        %eq3A_595 = arith.cmpi eq, %select_n3A_593, %eq3A_594 : i32
        %select_n3A_596 = arith.constant 0 : i32
        %select_n3A_597 = arith.select %eq3A_595, %select_n3A_596, %select_n3A_593 : i32
        %select_n3A_598 = arith.constant 0 : i32
        %select_n3A_599 = arith.constant 1 : i32
        %select_n3A_600 = arith.select %eq3A_595, %select_n3A_599, %select_n3A_598 : i32
        %eq3A_601 = arith.constant 1 : i32
        %eq3A_602 = arith.cmpi eq, %select_n3A_600, %eq3A_601 : i32
        %select_n3A_603 = arith.constant 0 : i32
        %select_n3A_604 = arith.select %eq3A_602, %select_n3A_603, %select_n3A_600 : i32
        %add3A_605 = arith.constant 0 : i32
        %add3A_606 = arith.addi %add3A_605, %mul3A_6 : i32
        %add3A_607 = arith.constant 0 : i32
        %add3A_608 = arith.addi %select_n3A_597, %add3A_607 : i32
        %add3A_609 = arith.constant 1 : i32
        %add3A_610 = arith.addi %select_n3A_597, %add3A_609 : i32
        %select_n3A_611 = arith.constant true
        %select_n3A_612 = arith.select %select_n3A_611, %add3A_610, %select_n3A_597 : i32
        %eq3A_613 = arith.constant 128 : i32
        %eq3A_614 = arith.cmpi eq, %select_n3A_612, %eq3A_613 : i32
        %select_n3A_615 = arith.constant 0 : i32
        %select_n3A_616 = arith.select %eq3A_614, %select_n3A_615, %select_n3A_612 : i32
        %select_n3A_617 = arith.constant 0 : i32
        %select_n3A_618 = arith.constant 1 : i32
        %select_n3A_619 = arith.select %eq3A_614, %select_n3A_618, %select_n3A_617 : i32
        %eq3A_620 = arith.constant 1 : i32
        %eq3A_621 = arith.cmpi eq, %select_n3A_619, %eq3A_620 : i32
        %select_n3A_622 = arith.constant 0 : i32
        %select_n3A_623 = arith.select %eq3A_621, %select_n3A_622, %select_n3A_619 : i32
        %add3A_624 = arith.constant 0 : i32
        %add3A_625 = arith.addi %add3A_624, %mul3A_6 : i32
        %add3A_626 = arith.constant 0 : i32
        %add3A_627 = arith.addi %select_n3A_616, %add3A_626 : i32
        %add3A_628 = arith.constant 1 : i32
        %add3A_629 = arith.addi %select_n3A_616, %add3A_628 : i32
        %select_n3A_630 = arith.constant true
        %select_n3A_631 = arith.select %select_n3A_630, %add3A_629, %select_n3A_616 : i32
        %eq3A_632 = arith.constant 128 : i32
        %eq3A_633 = arith.cmpi eq, %select_n3A_631, %eq3A_632 : i32
        %select_n3A_634 = arith.constant 0 : i32
        %select_n3A_635 = arith.select %eq3A_633, %select_n3A_634, %select_n3A_631 : i32
        %select_n3A_636 = arith.constant 0 : i32
        %select_n3A_637 = arith.constant 1 : i32
        %select_n3A_638 = arith.select %eq3A_633, %select_n3A_637, %select_n3A_636 : i32
        %eq3A_639 = arith.constant 1 : i32
        %eq3A_640 = arith.cmpi eq, %select_n3A_638, %eq3A_639 : i32
        %select_n3A_641 = arith.constant 0 : i32
        %select_n3A_642 = arith.select %eq3A_640, %select_n3A_641, %select_n3A_638 : i32
        %add3A_643 = arith.constant 0 : i32
        %add3A_644 = arith.addi %add3A_643, %mul3A_6 : i32
        %add3A_645 = arith.constant 0 : i32
        %add3A_646 = arith.addi %select_n3A_635, %add3A_645 : i32
        %add3A_647 = arith.constant 1 : i32
        %add3A_648 = arith.addi %select_n3A_635, %add3A_647 : i32
        %select_n3A_649 = arith.constant true
        %select_n3A_650 = arith.select %select_n3A_649, %add3A_648, %select_n3A_635 : i32
        %eq3A_651 = arith.constant 128 : i32
        %eq3A_652 = arith.cmpi eq, %select_n3A_650, %eq3A_651 : i32
        %select_n3A_653 = arith.constant 0 : i32
        %select_n3A_654 = arith.select %eq3A_652, %select_n3A_653, %select_n3A_650 : i32
        %select_n3A_655 = arith.constant 0 : i32
        %select_n3A_656 = arith.constant 1 : i32
        %select_n3A_657 = arith.select %eq3A_652, %select_n3A_656, %select_n3A_655 : i32
        %eq3A_658 = arith.constant 1 : i32
        %eq3A_659 = arith.cmpi eq, %select_n3A_657, %eq3A_658 : i32
        %select_n3A_660 = arith.constant 0 : i32
        %select_n3A_661 = arith.select %eq3A_659, %select_n3A_660, %select_n3A_657 : i32
        %add3A_662 = arith.constant 0 : i32
        %add3A_663 = arith.addi %add3A_662, %mul3A_6 : i32
        %add3A_664 = arith.constant 0 : i32
        %add3A_665 = arith.addi %select_n3A_654, %add3A_664 : i32
        %add3A_666 = arith.constant 1 : i32
        %add3A_667 = arith.addi %select_n3A_654, %add3A_666 : i32
        %select_n3A_668 = arith.constant true
        %select_n3A_669 = arith.select %select_n3A_668, %add3A_667, %select_n3A_654 : i32
        %eq3A_670 = arith.constant 128 : i32
        %eq3A_671 = arith.cmpi eq, %select_n3A_669, %eq3A_670 : i32
        %select_n3A_672 = arith.constant 0 : i32
        %select_n3A_673 = arith.select %eq3A_671, %select_n3A_672, %select_n3A_669 : i32
        %select_n3A_674 = arith.constant 0 : i32
        %select_n3A_675 = arith.constant 1 : i32
        %select_n3A_676 = arith.select %eq3A_671, %select_n3A_675, %select_n3A_674 : i32
        %eq3A_677 = arith.constant 1 : i32
        %eq3A_678 = arith.cmpi eq, %select_n3A_676, %eq3A_677 : i32
        %select_n3A_679 = arith.constant 0 : i32
        %select_n3A_680 = arith.select %eq3A_678, %select_n3A_679, %select_n3A_676 : i32
        %add3A_681 = arith.constant 0 : i32
        %add3A_682 = arith.addi %add3A_681, %mul3A_6 : i32
        %add3A_683 = arith.constant 0 : i32
        %add3A_684 = arith.addi %select_n3A_673, %add3A_683 : i32
        %add3A_685 = arith.constant 1 : i32
        %add3A_686 = arith.addi %select_n3A_673, %add3A_685 : i32
        %select_n3A_687 = arith.constant true
        %select_n3A_688 = arith.select %select_n3A_687, %add3A_686, %select_n3A_673 : i32
        %eq3A_689 = arith.constant 128 : i32
        %eq3A_690 = arith.cmpi eq, %select_n3A_688, %eq3A_689 : i32
        %select_n3A_691 = arith.constant 0 : i32
        %select_n3A_692 = arith.select %eq3A_690, %select_n3A_691, %select_n3A_688 : i32
        %select_n3A_693 = arith.constant 0 : i32
        %select_n3A_694 = arith.constant 1 : i32
        %select_n3A_695 = arith.select %eq3A_690, %select_n3A_694, %select_n3A_693 : i32
        %eq3A_696 = arith.constant 1 : i32
        %eq3A_697 = arith.cmpi eq, %select_n3A_695, %eq3A_696 : i32
        %select_n3A_698 = arith.constant 0 : i32
        %select_n3A_699 = arith.select %eq3A_697, %select_n3A_698, %select_n3A_695 : i32
        %add3A_700 = arith.constant 0 : i32
        %add3A_701 = arith.addi %add3A_700, %mul3A_6 : i32
        %add3A_702 = arith.constant 0 : i32
        %add3A_703 = arith.addi %select_n3A_692, %add3A_702 : i32
        %add3A_704 = arith.constant 1 : i32
        %add3A_705 = arith.addi %select_n3A_692, %add3A_704 : i32
        %select_n3A_706 = arith.constant true
        %select_n3A_707 = arith.select %select_n3A_706, %add3A_705, %select_n3A_692 : i32
        %eq3A_708 = arith.constant 128 : i32
        %eq3A_709 = arith.cmpi eq, %select_n3A_707, %eq3A_708 : i32
        %select_n3A_710 = arith.constant 0 : i32
        %select_n3A_711 = arith.select %eq3A_709, %select_n3A_710, %select_n3A_707 : i32
        %select_n3A_712 = arith.constant 0 : i32
        %select_n3A_713 = arith.constant 1 : i32
        %select_n3A_714 = arith.select %eq3A_709, %select_n3A_713, %select_n3A_712 : i32
        %eq3A_715 = arith.constant 1 : i32
        %eq3A_716 = arith.cmpi eq, %select_n3A_714, %eq3A_715 : i32
        %select_n3A_717 = arith.constant 0 : i32
        %select_n3A_718 = arith.select %eq3A_716, %select_n3A_717, %select_n3A_714 : i32
        %add3A_719 = arith.constant 0 : i32
        %add3A_720 = arith.addi %add3A_719, %mul3A_6 : i32
        %add3A_721 = arith.constant 0 : i32
        %add3A_722 = arith.addi %select_n3A_711, %add3A_721 : i32
        %mul3A_723 = arith.constant 128 : i32
        %mul3A_724 = arith.muli %add3A_682, %mul3A_723 : i32
        %add3A_725 = arith.addi %mul3A_724, %add3A_684 : i32
        %mul3A_726 = arith.constant 128 : i32
        %mul3A_727 = arith.muli %add3A_701, %mul3A_726 : i32
        %add3A_728 = arith.addi %mul3A_727, %add3A_703 : i32
        %ne3A_729 = arith.cmpi ne, %add3A_725, %add3A_728 : i32
        %or3A_730 = arith.constant false
        %or3A_731 = arith.ori %or3A_730, %ne3A_729 : i1
        %or3A_732 = arith.constant false
        %or3A_733 = arith.ori %or3A_731, %or3A_732 : i1
        %ge3A = arith.constant 121 : i32
        %ge3A_734 = arith.cmpi sge, %scan3A_537, %ge3A : i32
        %not3A = arith.constant true
        %not3A_735 = arith.xori %ge3A_734, %not3A : i1
        %and3A_736 = arith.andi %or3A_733, %not3A_735 : i1
        %convert_element_type3A_737 = arith.extui %and3A_736 : i1 to i32
        %cond3A_738 = arith.constant 0 : i32
        %cond3A_739 = arith.cmpi ne, %convert_element_type3A_737, %cond3A_738 : i32
        scf.if %cond3A_739 {
          "tpu.trace_start"() <{level = 10 : i32, message = "ep_copy_in"}> : () -> ()
          %rem3A_906 = arith.constant 8 : i32
          %rem3A_907 = arith.remui %scan3A_538, %rem3A_906 : i32
          %mul3A_908 = arith.constant 128 : i32
          %mul3A_909 = arith.muli %add3A_701, %mul3A_908 : i32
          %add3A_910 = arith.addi %mul3A_909, %add3A_703 : i32
          %mul3A_911 = arith.constant 4 : i32
          %mul3A_912 = arith.muli %mul3A_911, %add3A_910 : i32
          %dma_start3A_913 = arith.constant 0 : i32
          %dma_start3A_914 = arith.constant 0 : i32
          %dma_start3A_915 = tpu.memref_slice %run_scoped3A[%rem3A_907, %dma_start3A_913, %dma_start3A_914] : memref<8x4x2048xf32, #tpu.memory_space<vmem>> -> memref<1x4x2048xf32, #tpu.memory_space<vmem>>
          %dma_start3A_916 = tpu.memref_squeeze %dma_start3A_915 : memref<1x4x2048xf32, #tpu.memory_space<vmem>> -> memref<4x2048xf32, #tpu.memory_space<vmem>>
          %dma_start3A_917 = arith.constant 0 : i32
          %dma_start3A_918 = tpu.memref_slice %arg2[%mul3A_912, %dma_start3A_917] : memref<16384x2048xf32, #tpu.memory_space<hbm>> -> memref<4x2048xf32, #tpu.memory_space<hbm>>
          %dma_start3A_919 = tpu.memref_slice %run_scoped3A_7[%rem3A_907] : memref<8x!tpu.dma_semaphore, #tpu.memory_space<semaphore_mem>> -> memref<1x!tpu.dma_semaphore, #tpu.memory_space<semaphore_mem>>
          %dma_start3A_920 = tpu.memref_squeeze %dma_start3A_919 : memref<1x!tpu.dma_semaphore, #tpu.memory_space<semaphore_mem>> -> memref<!tpu.dma_semaphore, #tpu.memory_space<semaphore_mem>>
          %dma_start3A_921 = arith.constant 0 : i32
          %dma_start3A_922 = arith.constant 0 : i32
          %dma_start3A_923 = tpu.memref_slice %run_scoped3A[%rem3A_907, %dma_start3A_921, %dma_start3A_922] : memref<8x4x2048xf32, #tpu.memory_space<vmem>> -> memref<1x4x2048xf32, #tpu.memory_space<vmem>>
          %dma_start3A_924 = tpu.memref_squeeze %dma_start3A_923 : memref<1x4x2048xf32, #tpu.memory_space<vmem>> -> memref<4x2048xf32, #tpu.memory_space<vmem>>
          %dma_start3A_925 = arith.constant 0 : i32
          %dma_start3A_926 = tpu.memref_slice %arg2[%mul3A_912, %dma_start3A_925] : memref<16384x2048xf32, #tpu.memory_space<hbm>> -> memref<4x2048xf32, #tpu.memory_space<hbm>>
          tpu.enqueue_dma source(%dma_start3A_926 : memref<4x2048xf32, #tpu.memory_space<hbm>>) target(%dma_start3A_924 : memref<4x2048xf32, #tpu.memory_space<vmem>>) target_semaphore(%dma_start3A_920 : memref<!tpu.dma_semaphore, #tpu.memory_space<semaphore_mem>>)
          "tpu.trace_stop"() : () -> ()
        } else {
        }
        %and3A_740 = arith.constant true
        %and3A_741 = arith.andi %and3A_736, %and3A_740 : i1
        %add3A_742 = arith.constant 1 : i32
        %add3A_743 = arith.addi %scan3A_538, %add3A_742 : i32
        %select_n3A_744 = arith.select %and3A_741, %add3A_743, %scan3A_538 : i32
        %mul3A_745 = arith.constant 128 : i32
        %mul3A_746 = arith.muli %add3A_549, %mul3A_745 : i32
        %add3A_747 = arith.addi %mul3A_746, %add3A_551 : i32
        %mul3A_748 = arith.constant 128 : i32
        %mul3A_749 = arith.muli %add3A_587, %mul3A_748 : i32
        %add3A_750 = arith.addi %mul3A_749, %add3A_589 : i32
        %ne3A_751 = arith.cmpi ne, %add3A_747, %add3A_750 : i32
        %or3A_752 = arith.constant false
        %or3A_753 = arith.ori %or3A_752, %ne3A_751 : i1
        %or3A_754 = arith.constant false
        %or3A_755 = arith.ori %or3A_753, %or3A_754 : i1
        %ge3A_756 = arith.constant 127 : i32
        %ge3A_757 = arith.cmpi sge, %scan3A_537, %ge3A_756 : i32
        %not3A_758 = arith.constant true
        %not3A_759 = arith.xori %ge3A_757, %not3A_758 : i1
        %and3A_760 = arith.andi %or3A_755, %not3A_759 : i1
        %mul3A_761 = arith.constant 128 : i32
        %mul3A_762 = arith.muli %add3A_549, %mul3A_761 : i32
        %add3A_763 = arith.addi %mul3A_762, %add3A_551 : i32
        %mul3A_764 = arith.constant 128 : i32
        %mul3A_765 = arith.muli %add3A_568, %mul3A_764 : i32
        %add3A_766 = arith.addi %mul3A_765, %add3A_570 : i32
        %ne3A_767 = arith.cmpi ne, %add3A_763, %add3A_766 : i32
        %or3A_768 = arith.constant false
        %or3A_769 = arith.ori %or3A_768, %ne3A_767 : i1
        %or3A_770 = arith.constant false
        %or3A_771 = arith.ori %or3A_769, %or3A_770 : i1
        %or3A_772 = arith.ori %or3A_771, %eq3A_545 : i1
        %convert_element_type3A_773 = arith.extui %or3A_772 : i1 to i32
        %cond3A_774 = arith.constant 0 : i32
        %cond3A_775 = arith.cmpi ne, %convert_element_type3A_773, %cond3A_774 : i32
        scf.if %cond3A_775 {
          "tpu.trace_start"() <{level = 10 : i32, message = "ep_wait_in"}> : () -> ()
          %mul3A_906 = arith.constant 128 : i32
          %mul3A_907 = arith.muli %add3A_549, %mul3A_906 : i32
          %add3A_908 = arith.addi %mul3A_907, %add3A_551 : i32
          %mul3A_909 = arith.constant 4 : i32
          %mul3A_910 = arith.muli %mul3A_909, %add3A_908 : i32
          %rem3A_911 = arith.constant 8 : i32
          %rem3A_912 = arith.remui %scan3A_539, %rem3A_911 : i32
          %dma_wait3A_913 = arith.constant 0 : i32
          %dma_wait3A_914 = arith.constant 0 : i32
          %dma_wait3A_915 = tpu.memref_slice %run_scoped3A[%rem3A_912, %dma_wait3A_913, %dma_wait3A_914] : memref<8x4x2048xf32, #tpu.memory_space<vmem>> -> memref<1x4x2048xf32, #tpu.memory_space<vmem>>
          %dma_wait3A_916 = tpu.memref_squeeze %dma_wait3A_915 : memref<1x4x2048xf32, #tpu.memory_space<vmem>> -> memref<4x2048xf32, #tpu.memory_space<vmem>>
          %dma_wait3A_917 = arith.constant 0 : i32
          %dma_wait3A_918 = tpu.memref_slice %arg2[%mul3A_910, %dma_wait3A_917] : memref<16384x2048xf32, #tpu.memory_space<hbm>> -> memref<4x2048xf32, #tpu.memory_space<hbm>>
          %dma_wait3A_919 = tpu.memref_slice %run_scoped3A_7[%rem3A_912] : memref<8x!tpu.dma_semaphore, #tpu.memory_space<semaphore_mem>> -> memref<1x!tpu.dma_semaphore, #tpu.memory_space<semaphore_mem>>
          %dma_wait3A_920 = tpu.memref_squeeze %dma_wait3A_919 : memref<1x!tpu.dma_semaphore, #tpu.memory_space<semaphore_mem>> -> memref<!tpu.dma_semaphore, #tpu.memory_space<semaphore_mem>>
          %dma_wait3A_921 = arith.constant 0 : i32
          %dma_wait3A_922 = arith.constant 0 : i32
          %dma_wait3A_923 = tpu.memref_slice %run_scoped3A[%rem3A_912, %dma_wait3A_921, %dma_wait3A_922] : memref<8x4x2048xf32, #tpu.memory_space<vmem>> -> memref<1x4x2048xf32, #tpu.memory_space<vmem>>
          %dma_wait3A_924 = tpu.memref_squeeze %dma_wait3A_923 : memref<1x4x2048xf32, #tpu.memory_space<vmem>> -> memref<4x2048xf32, #tpu.memory_space<vmem>>
          %dma_wait3A_925 = arith.constant 0 : i32
          %dma_wait3A_926 = tpu.memref_slice %arg2[%mul3A_910, %dma_wait3A_925] : memref<16384x2048xf32, #tpu.memory_space<hbm>> -> memref<4x2048xf32, #tpu.memory_space<hbm>>
          tpu.wait_dma2 semaphore(%dma_wait3A_920 : memref<!tpu.dma_semaphore, #tpu.memory_space<semaphore_mem>>) src(%dma_wait3A_926 : memref<4x2048xf32, #tpu.memory_space<hbm>>) dst(%dma_wait3A_924 : memref<4x2048xf32, #tpu.memory_space<vmem>>)
          "tpu.trace_stop"() : () -> ()
        } else {
        }
        %mul3A_776 = arith.constant 128 : i32
        %mul3A_777 = arith.muli %add3A_549, %mul3A_776 : i32
        %add3A_778 = arith.addi %mul3A_777, %add3A_551 : i32
        %mul3A_779 = arith.constant 128 : i32
        %mul3A_780 = arith.muli %add3A_568, %mul3A_779 : i32
        %add3A_781 = arith.addi %mul3A_780, %add3A_570 : i32
        %ne3A_782 = arith.cmpi ne, %add3A_778, %add3A_781 : i32
        %or3A_783 = arith.constant false
        %or3A_784 = arith.ori %or3A_783, %ne3A_782 : i1
        %or3A_785 = arith.constant false
        %or3A_786 = arith.ori %or3A_784, %or3A_785 : i1
        %or3A_787 = arith.ori %or3A_786, %eq3A_545 : i1
        %convert_element_type3A_788 = arith.extui %or3A_787 : i1 to i32
        %cond3A_789 = arith.constant 0 : i32
        %cond3A_790 = arith.cmpi ne, %convert_element_type3A_788, %cond3A_789 : i32
        scf.if %cond3A_790 {
        } else {
        }
        %rem3A_791 = arith.constant 8 : i32
        %rem3A_792 = arith.remui %scan3A_539, %rem3A_791 : i32
        %rem3A_793 = arith.constant 2 : i32
        %rem3A_794 = arith.remui %scan3A_540, %rem3A_793 : i32
        %parallel_loop3A = arith.constant 0 : i32
        %parallel_loop3A_795 = arith.constant 128 : i32
        %parallel_loop3A_796 = arith.constant 1 : i32
        "tpu.trace_start"() <{level = 10 : i32, message = "ep_run_kernel"}> : () -> ()
        scf.for %parallel_loop3A_906 = %parallel_loop3A to %parallel_loop3A_795 step %parallel_loop3A_796  : i32 {
          %parallel_loop3A_907 = arith.constant 16 : i32
          %parallel_loop3A_908 = arith.muli %parallel_loop3A_906, %parallel_loop3A_907 : i32
          %parallel_loop3A_909 = arith.index_cast %parallel_loop3A_908 : i32 to index
          %parallel_loop3A_910 = tpu.vector_load %arg5[%parallel_loop3A_909] {strides = array<i32>} : memref<2048xi32, #tpu.memory_space<vmem>>, vector<16xi32>,
          %parallel_loop3A_911 = arith.constant 0 : i32
          %parallel_loop3A_912 = vector.broadcast %parallel_loop3A_911 : i32 to vector<16xi32>
          %parallel_loop3A_913 = arith.constant 0 : i32
          %parallel_loop3A_914 = arith.constant 0 : i32
          %parallel_loop3A_915 = tpu.memref_slice %run_scoped3A[%rem3A_792, %parallel_loop3A_913, %parallel_loop3A_914] : memref<8x4x2048xf32, #tpu.memory_space<vmem>> -> memref<1x4x2048xf32, #tpu.memory_space<vmem>>
          %parallel_loop3A_916 = tpu.memref_squeeze %parallel_loop3A_915 : memref<1x4x2048xf32, #tpu.memory_space<vmem>> -> memref<4x2048xf32, #tpu.memory_space<vmem>>
          %parallel_loop3A_917 = tpu.vector_load_idx %parallel_loop3A_916[%parallel_loop3A_912, %parallel_loop3A_910] : memref<4x2048xf32, #tpu.memory_space<vmem>>[vector<16xi32>, vector<16xi32>], vector<16xf32>,
          %parallel_loop3A_918 = arith.constant 0 : i32
          %parallel_loop3A_919 = arith.constant 0 : i32
          %parallel_loop3A_920 = arith.constant 0 : i32
          %parallel_loop3A_921 = tpu.memref_slice %run_scoped3A_8[%rem3A_794, %parallel_loop3A_919, %parallel_loop3A_920] : memref<2x4x2048xf32, #tpu.memory_space<vmem>> -> memref<1x4x2048xf32, #tpu.memory_space<vmem>>
          %parallel_loop3A_922 = tpu.memref_squeeze %parallel_loop3A_921 : memref<1x4x2048xf32, #tpu.memory_space<vmem>> -> memref<4x2048xf32, #tpu.memory_space<vmem>>
          %parallel_loop3A_923 = arith.index_cast %parallel_loop3A_918 : i32 to index
          %parallel_loop3A_924 = arith.index_cast %parallel_loop3A_908 : i32 to index
          %parallel_loop3A_925 = tpu.vector_load %parallel_loop3A_922[%parallel_loop3A_923, %parallel_loop3A_924] {strides = array<i32>} : memref<4x2048xf32, #tpu.memory_space<vmem>>, vector<16xf32>,
          tpu.vector_store %parallel_loop3A_922[%parallel_loop3A_923, %parallel_loop3A_924], %parallel_loop3A_917 {strides = array<i32>} : memref<4x2048xf32, #tpu.memory_space<vmem>>, vector<16xf32>,
          %parallel_loop3A_926 = arith.constant 1 : i32
          %parallel_loop3A_927 = vector.broadcast %parallel_loop3A_926 : i32 to vector<16xi32>
          %parallel_loop3A_928 = arith.constant 0 : i32
          %parallel_loop3A_929 = arith.constant 0 : i32
          %parallel_loop3A_930 = tpu.memref_slice %run_scoped3A[%rem3A_792, %parallel_loop3A_928, %parallel_loop3A_929] : memref<8x4x2048xf32, #tpu.memory_space<vmem>> -> memref<1x4x2048xf32, #tpu.memory_space<vmem>>
          %parallel_loop3A_931 = tpu.memref_squeeze %parallel_loop3A_930 : memref<1x4x2048xf32, #tpu.memory_space<vmem>> -> memref<4x2048xf32, #tpu.memory_space<vmem>>
          %parallel_loop3A_932 = tpu.vector_load_idx %parallel_loop3A_931[%parallel_loop3A_927, %parallel_loop3A_910] : memref<4x2048xf32, #tpu.memory_space<vmem>>[vector<16xi32>, vector<16xi32>], vector<16xf32>,
          %parallel_loop3A_933 = arith.constant 1 : i32
          %parallel_loop3A_934 = arith.constant 0 : i32
          %parallel_loop3A_935 = arith.constant 0 : i32
          %parallel_loop3A_936 = tpu.memref_slice %run_scoped3A_8[%rem3A_794, %parallel_loop3A_934, %parallel_loop3A_935] : memref<2x4x2048xf32, #tpu.memory_space<vmem>> -> memref<1x4x2048xf32, #tpu.memory_space<vmem>>
          %parallel_loop3A_937 = tpu.memref_squeeze %parallel_loop3A_936 : memref<1x4x2048xf32, #tpu.memory_space<vmem>> -> memref<4x2048xf32, #tpu.memory_space<vmem>>
          %parallel_loop3A_938 = arith.index_cast %parallel_loop3A_933 : i32 to index
          %parallel_loop3A_939 = arith.index_cast %parallel_loop3A_908 : i32 to index
          %parallel_loop3A_940 = tpu.vector_load %parallel_loop3A_937[%parallel_loop3A_938, %parallel_loop3A_939] {strides = array<i32>} : memref<4x2048xf32, #tpu.memory_space<vmem>>, vector<16xf32>,
          tpu.vector_store %parallel_loop3A_937[%parallel_loop3A_938, %parallel_loop3A_939], %parallel_loop3A_932 {strides = array<i32>} : memref<4x2048xf32, #tpu.memory_space<vmem>>, vector<16xf32>,
          %parallel_loop3A_941 = arith.constant 2 : i32
          %parallel_loop3A_942 = vector.broadcast %parallel_loop3A_941 : i32 to vector<16xi32>
          %parallel_loop3A_943 = arith.constant 0 : i32
          %parallel_loop3A_944 = arith.constant 0 : i32
          %parallel_loop3A_945 = tpu.memref_slice %run_scoped3A[%rem3A_792, %parallel_loop3A_943, %parallel_loop3A_944] : memref<8x4x2048xf32, #tpu.memory_space<vmem>> -> memref<1x4x2048xf32, #tpu.memory_space<vmem>>
          %parallel_loop3A_946 = tpu.memref_squeeze %parallel_loop3A_945 : memref<1x4x2048xf32, #tpu.memory_space<vmem>> -> memref<4x2048xf32, #tpu.memory_space<vmem>>
          %parallel_loop3A_947 = tpu.vector_load_idx %parallel_loop3A_946[%parallel_loop3A_942, %parallel_loop3A_910] : memref<4x2048xf32, #tpu.memory_space<vmem>>[vector<16xi32>, vector<16xi32>], vector<16xf32>,
          %parallel_loop3A_948 = arith.constant 2 : i32
          %parallel_loop3A_949 = arith.constant 0 : i32
          %parallel_loop3A_950 = arith.constant 0 : i32
          %parallel_loop3A_951 = tpu.memref_slice %run_scoped3A_8[%rem3A_794, %parallel_loop3A_949, %parallel_loop3A_950] : memref<2x4x2048xf32, #tpu.memory_space<vmem>> -> memref<1x4x2048xf32, #tpu.memory_space<vmem>>
          %parallel_loop3A_952 = tpu.memref_squeeze %parallel_loop3A_951 : memref<1x4x2048xf32, #tpu.memory_space<vmem>> -> memref<4x2048xf32, #tpu.memory_space<vmem>>
          %parallel_loop3A_953 = arith.index_cast %parallel_loop3A_948 : i32 to index
          %parallel_loop3A_954 = arith.index_cast %parallel_loop3A_908 : i32 to index
          %parallel_loop3A_955 = tpu.vector_load %parallel_loop3A_952[%parallel_loop3A_953, %parallel_loop3A_954] {strides = array<i32>} : memref<4x2048xf32, #tpu.memory_space<vmem>>, vector<16xf32>,
          tpu.vector_store %parallel_loop3A_952[%parallel_loop3A_953, %parallel_loop3A_954], %parallel_loop3A_947 {strides = array<i32>} : memref<4x2048xf32, #tpu.memory_space<vmem>>, vector<16xf32>,
          %parallel_loop3A_956 = arith.constant 3 : i32
          %parallel_loop3A_957 = vector.broadcast %parallel_loop3A_956 : i32 to vector<16xi32>
          %parallel_loop3A_958 = arith.constant 0 : i32
          %parallel_loop3A_959 = arith.constant 0 : i32
          %parallel_loop3A_960 = tpu.memref_slice %run_scoped3A[%rem3A_792, %parallel_loop3A_958, %parallel_loop3A_959] : memref<8x4x2048xf32, #tpu.memory_space<vmem>> -> memref<1x4x2048xf32, #tpu.memory_space<vmem>>
          %parallel_loop3A_961 = tpu.memref_squeeze %parallel_loop3A_960 : memref<1x4x2048xf32, #tpu.memory_space<vmem>> -> memref<4x2048xf32, #tpu.memory_space<vmem>>
          %parallel_loop3A_962 = tpu.vector_load_idx %parallel_loop3A_961[%parallel_loop3A_957, %parallel_loop3A_910] : memref<4x2048xf32, #tpu.memory_space<vmem>>[vector<16xi32>, vector<16xi32>], vector<16xf32>,
          %parallel_loop3A_963 = arith.constant 3 : i32
          %parallel_loop3A_964 = arith.constant 0 : i32
          %parallel_loop3A_965 = arith.constant 0 : i32
          %parallel_loop3A_966 = tpu.memref_slice %run_scoped3A_8[%rem3A_794, %parallel_loop3A_964, %parallel_loop3A_965] : memref<2x4x2048xf32, #tpu.memory_space<vmem>> -> memref<1x4x2048xf32, #tpu.memory_space<vmem>>
          %parallel_loop3A_967 = tpu.memref_squeeze %parallel_loop3A_966 : memref<1x4x2048xf32, #tpu.memory_space<vmem>> -> memref<4x2048xf32, #tpu.memory_space<vmem>>
          %parallel_loop3A_968 = arith.index_cast %parallel_loop3A_963 : i32 to index
          %parallel_loop3A_969 = arith.index_cast %parallel_loop3A_908 : i32 to index
          %parallel_loop3A_970 = tpu.vector_load %parallel_loop3A_967[%parallel_loop3A_968, %parallel_loop3A_969] {strides = array<i32>} : memref<4x2048xf32, #tpu.memory_space<vmem>>, vector<16xf32>,
          tpu.vector_store %parallel_loop3A_967[%parallel_loop3A_968, %parallel_loop3A_969], %parallel_loop3A_962 {strides = array<i32>} : memref<4x2048xf32, #tpu.memory_space<vmem>>, vector<16xf32>,
        } {sc.loop_unroll_factor = 4 : i64, sc.parallel_access}
        "tpu.trace_stop"() : () -> ()
        %mul3A_797 = arith.constant 128 : i32
        %mul3A_798 = arith.muli %add3A_549, %mul3A_797 : i32
        %add3A_799 = arith.addi %mul3A_798, %add3A_551 : i32
        %mul3A_800 = arith.constant 128 : i32
        %mul3A_801 = arith.muli %add3A_587, %mul3A_800 : i32
        %add3A_802 = arith.addi %mul3A_801, %add3A_589 : i32
        %ne3A_803 = arith.cmpi ne, %add3A_799, %add3A_802 : i32
        %or3A_804 = arith.constant false
        %or3A_805 = arith.ori %or3A_804, %ne3A_803 : i1
        %or3A_806 = arith.constant false
        %or3A_807 = arith.ori %or3A_805, %or3A_806 : i1
        %or3A_808 = arith.ori %or3A_807, %eq3A_547 : i1
        %convert_element_type3A_809 = arith.extui %or3A_808 : i1 to i32
        %cond3A_810 = arith.constant 0 : i32
        %cond3A_811 = arith.cmpi ne, %convert_element_type3A_809, %cond3A_810 : i32
        scf.if %cond3A_811 {
        } else {
        }
        %and3A_812 = arith.constant false
        %and3A_813 = arith.andi %or3A_808, %and3A_812 : i1
        %mul3A_814 = arith.constant 128 : i32
        %mul3A_815 = arith.muli %add3A_549, %mul3A_814 : i32
        %add3A_816 = arith.addi %mul3A_815, %add3A_551 : i32
        %mul3A_817 = arith.constant 128 : i32
        %mul3A_818 = arith.muli %add3A_587, %mul3A_817 : i32
        %add3A_819 = arith.addi %mul3A_818, %add3A_589 : i32
        %ne3A_820 = arith.cmpi ne, %add3A_816, %add3A_819 : i32
        %or3A_821 = arith.constant false
        %or3A_822 = arith.ori %or3A_821, %ne3A_820 : i1
        %or3A_823 = arith.constant false
        %or3A_824 = arith.ori %or3A_822, %or3A_823 : i1
        %or3A_825 = arith.ori %or3A_824, %eq3A_547 : i1
        %convert_element_type3A_826 = arith.extui %or3A_825 : i1 to i32
        %cond3A_827 = arith.constant 0 : i32
        %cond3A_828 = arith.cmpi ne, %convert_element_type3A_826, %cond3A_827 : i32
        scf.if %cond3A_828 {
          "tpu.trace_start"() <{level = 10 : i32, message = "ep_copy_out"}> : () -> ()
          %rem3A_906 = arith.constant 2 : i32
          %rem3A_907 = arith.remui %scan3A_540, %rem3A_906 : i32
          %mul3A_908 = arith.constant 128 : i32
          %mul3A_909 = arith.muli %add3A_549, %mul3A_908 : i32
          %add3A_910 = arith.addi %mul3A_909, %add3A_551 : i32
          %mul3A_911 = arith.constant 4 : i32
          %mul3A_912 = arith.muli %mul3A_911, %add3A_910 : i32
          %dma_start3A_913 = arith.constant 0 : i32
          %dma_start3A_914 = arith.constant 0 : i32
          %dma_start3A_915 = tpu.memref_slice %run_scoped3A_8[%rem3A_907, %dma_start3A_913, %dma_start3A_914] : memref<2x4x2048xf32, #tpu.memory_space<vmem>> -> memref<1x4x2048xf32, #tpu.memory_space<vmem>>
          %dma_start3A_916 = tpu.memref_squeeze %dma_start3A_915 : memref<1x4x2048xf32, #tpu.memory_space<vmem>> -> memref<4x2048xf32, #tpu.memory_space<vmem>>
          %dma_start3A_917 = arith.constant 0 : i32
          %dma_start3A_918 = tpu.memref_slice %arg4[%mul3A_912, %dma_start3A_917] : memref<16384x2048xf32, #tpu.memory_space<hbm>> -> memref<4x2048xf32, #tpu.memory_space<hbm>>
          %dma_start3A_919 = tpu.memref_slice %run_scoped3A_9[%rem3A_907] : memref<2x!tpu.dma_semaphore, #tpu.memory_space<semaphore_mem>> -> memref<1x!tpu.dma_semaphore, #tpu.memory_space<semaphore_mem>>
          %dma_start3A_920 = tpu.memref_squeeze %dma_start3A_919 : memref<1x!tpu.dma_semaphore, #tpu.memory_space<semaphore_mem>> -> memref<!tpu.dma_semaphore, #tpu.memory_space<semaphore_mem>>
          %dma_start3A_921 = arith.constant 0 : i32
          %dma_start3A_922 = tpu.memref_slice %arg4[%mul3A_912, %dma_start3A_921] : memref<16384x2048xf32, #tpu.memory_space<hbm>> -> memref<4x2048xf32, #tpu.memory_space<hbm>>
          %dma_start3A_923 = arith.constant 0 : i32
          %dma_start3A_924 = arith.constant 0 : i32
          %dma_start3A_925 = tpu.memref_slice %run_scoped3A_8[%rem3A_907, %dma_start3A_923, %dma_start3A_924] : memref<2x4x2048xf32, #tpu.memory_space<vmem>> -> memref<1x4x2048xf32, #tpu.memory_space<vmem>>
          %dma_start3A_926 = tpu.memref_squeeze %dma_start3A_925 : memref<1x4x2048xf32, #tpu.memory_space<vmem>> -> memref<4x2048xf32, #tpu.memory_space<vmem>>
          tpu.enqueue_dma source(%dma_start3A_926 : memref<4x2048xf32, #tpu.memory_space<vmem>>) target(%dma_start3A_922 : memref<4x2048xf32, #tpu.memory_space<hbm>>) target_semaphore(%dma_start3A_920 : memref<!tpu.dma_semaphore, #tpu.memory_space<semaphore_mem>>)
          "tpu.trace_stop"() : () -> ()
        } else {
        }
        %and3A_829 = arith.constant true
        %and3A_830 = arith.andi %or3A_825, %and3A_829 : i1
        %add3A_831 = arith.constant 1 : i32
        %add3A_832 = arith.addi %scan3A_540, %add3A_831 : i32
        %select_n3A_833 = arith.select %and3A_830, %add3A_832, %scan3A_540 : i32
        %mul3A_834 = arith.constant 128 : i32
        %mul3A_835 = arith.muli %add3A_549, %mul3A_834 : i32
        %add3A_836 = arith.addi %mul3A_835, %add3A_551 : i32
        %mul3A_837 = arith.constant 128 : i32
        %mul3A_838 = arith.muli %add3A_568, %mul3A_837 : i32
        %add3A_839 = arith.addi %mul3A_838, %add3A_570 : i32
        %ne3A_840 = arith.cmpi ne, %add3A_836, %add3A_839 : i32
        %or3A_841 = arith.constant false
        %or3A_842 = arith.ori %or3A_841, %ne3A_840 : i1
        %or3A_843 = arith.constant false
        %or3A_844 = arith.ori %or3A_842, %or3A_843 : i1
        %not3A_845 = arith.constant true
        %not3A_846 = arith.xori %eq3A_545, %not3A_845 : i1
        %and3A_847 = arith.andi %or3A_844, %not3A_846 : i1
        %convert_element_type3A_848 = arith.extui %and3A_847 : i1 to i32
        %cond3A_849 = arith.constant 0 : i32
        %cond3A_850 = arith.cmpi ne, %convert_element_type3A_848, %cond3A_849 : i32
        scf.if %cond3A_850 {
        } else {
        }
        %and3A_851 = arith.constant false
        %and3A_852 = arith.andi %and3A_847, %and3A_851 : i1
        %mul3A_853 = arith.constant 128 : i32
        %mul3A_854 = arith.muli %add3A_549, %mul3A_853 : i32
        %add3A_855 = arith.addi %mul3A_854, %add3A_551 : i32
        %mul3A_856 = arith.constant 128 : i32
        %mul3A_857 = arith.muli %add3A_568, %mul3A_856 : i32
        %add3A_858 = arith.addi %mul3A_857, %add3A_570 : i32
        %ne3A_859 = arith.cmpi ne, %add3A_855, %add3A_858 : i32
        %or3A_860 = arith.constant false
        %or3A_861 = arith.ori %or3A_860, %ne3A_859 : i1
        %or3A_862 = arith.constant false
        %or3A_863 = arith.ori %or3A_861, %or3A_862 : i1
        %not3A_864 = arith.constant true
        %not3A_865 = arith.xori %eq3A_545, %not3A_864 : i1
        %and3A_866 = arith.andi %or3A_863, %not3A_865 : i1
        %convert_element_type3A_867 = arith.extui %and3A_866 : i1 to i32
        %cond3A_868 = arith.constant 0 : i32
        %cond3A_869 = arith.cmpi ne, %convert_element_type3A_867, %cond3A_868 : i32
        scf.if %cond3A_869 {
          "tpu.trace_start"() <{level = 10 : i32, message = "ep_wait_out"}> : () -> ()
          %rem3A_906 = arith.constant 2 : i32
          %rem3A_907 = arith.remui %scan3A_541, %rem3A_906 : i32
          %mul3A_908 = arith.constant 128 : i32
          %mul3A_909 = arith.muli %add3A_568, %mul3A_908 : i32
          %add3A_910 = arith.addi %mul3A_909, %add3A_570 : i32
          %mul3A_911 = arith.constant 4 : i32
          %mul3A_912 = arith.muli %mul3A_911, %add3A_910 : i32
          %dma_wait3A_913 = arith.constant 0 : i32
          %dma_wait3A_914 = arith.constant 0 : i32
          %dma_wait3A_915 = tpu.memref_slice %run_scoped3A_8[%rem3A_907, %dma_wait3A_913, %dma_wait3A_914] : memref<2x4x2048xf32, #tpu.memory_space<vmem>> -> memref<1x4x2048xf32, #tpu.memory_space<vmem>>
          %dma_wait3A_916 = tpu.memref_squeeze %dma_wait3A_915 : memref<1x4x2048xf32, #tpu.memory_space<vmem>> -> memref<4x2048xf32, #tpu.memory_space<vmem>>
          %dma_wait3A_917 = arith.constant 0 : i32
          %dma_wait3A_918 = tpu.memref_slice %arg4[%mul3A_912, %dma_wait3A_917] : memref<16384x2048xf32, #tpu.memory_space<hbm>> -> memref<4x2048xf32, #tpu.memory_space<hbm>>
          %dma_wait3A_919 = tpu.memref_slice %run_scoped3A_9[%rem3A_907] : memref<2x!tpu.dma_semaphore, #tpu.memory_space<semaphore_mem>> -> memref<1x!tpu.dma_semaphore, #tpu.memory_space<semaphore_mem>>
          %dma_wait3A_920 = tpu.memref_squeeze %dma_wait3A_919 : memref<1x!tpu.dma_semaphore, #tpu.memory_space<semaphore_mem>> -> memref<!tpu.dma_semaphore, #tpu.memory_space<semaphore_mem>>
          %dma_wait3A_921 = arith.constant 0 : i32
          %dma_wait3A_922 = tpu.memref_slice %arg4[%mul3A_912, %dma_wait3A_921] : memref<16384x2048xf32, #tpu.memory_space<hbm>> -> memref<4x2048xf32, #tpu.memory_space<hbm>>
          %dma_wait3A_923 = arith.constant 0 : i32
          %dma_wait3A_924 = arith.constant 0 : i32
          %dma_wait3A_925 = tpu.memref_slice %run_scoped3A_8[%rem3A_907, %dma_wait3A_923, %dma_wait3A_924] : memref<2x4x2048xf32, #tpu.memory_space<vmem>> -> memref<1x4x2048xf32, #tpu.memory_space<vmem>>
          %dma_wait3A_926 = tpu.memref_squeeze %dma_wait3A_925 : memref<1x4x2048xf32, #tpu.memory_space<vmem>> -> memref<4x2048xf32, #tpu.memory_space<vmem>>
          tpu.wait_dma2 semaphore(%dma_wait3A_920 : memref<!tpu.dma_semaphore, #tpu.memory_space<semaphore_mem>>) src(%dma_wait3A_926 : memref<4x2048xf32, #tpu.memory_space<vmem>>) dst(%dma_wait3A_922 : memref<4x2048xf32, #tpu.memory_space<hbm>>)
          "tpu.trace_stop"() : () -> ()
        } else {
        }
        %and3A_870 = arith.constant true
        %and3A_871 = arith.andi %and3A_866, %and3A_870 : i1
        %add3A_872 = arith.constant 1 : i32
        %add3A_873 = arith.addi %scan3A_541, %add3A_872 : i32
        %select_n3A_874 = arith.select %and3A_871, %add3A_873, %scan3A_541 : i32
        %mul3A_875 = arith.constant 128 : i32
        %mul3A_876 = arith.muli %add3A_549, %mul3A_875 : i32
        %add3A_877 = arith.addi %mul3A_876, %add3A_551 : i32
        %mul3A_878 = arith.constant 128 : i32
        %mul3A_879 = arith.muli %add3A_587, %mul3A_878 : i32
        %add3A_880 = arith.addi %mul3A_879, %add3A_589 : i32
        %ne3A_881 = arith.cmpi ne, %add3A_877, %add3A_880 : i32
        %or3A_882 = arith.constant false
        %or3A_883 = arith.ori %or3A_882, %ne3A_881 : i1
        %or3A_884 = arith.constant false
        %or3A_885 = arith.ori %or3A_883, %or3A_884 : i1
        %or3A_886 = arith.ori %or3A_885, %eq3A_547 : i1
        %add3A_887 = arith.constant 1 : i32
        %add3A_888 = arith.addi %scan3A_539, %add3A_887 : i32
        %select_n3A_889 = arith.select %or3A_886, %add3A_888, %scan3A_539 : i32
        %add3A_890 = arith.constant 1 : i32
        %add3A_891 = arith.addi %scan3A_543, %add3A_890 : i32
        %select_n3A_892 = arith.constant true
        %select_n3A_893 = arith.select %select_n3A_892, %add3A_891, %scan3A_543 : i32
        %eq3A_894 = arith.constant 128 : i32
        %eq3A_895 = arith.cmpi eq, %select_n3A_893, %eq3A_894 : i32
        %select_n3A_896 = arith.constant 0 : i32
        %select_n3A_897 = arith.select %eq3A_895, %select_n3A_896, %select_n3A_893 : i32
        %select_n3A_898 = arith.constant 0 : i32
        %select_n3A_899 = arith.constant 1 : i32
        %select_n3A_900 = arith.select %eq3A_895, %select_n3A_899, %select_n3A_898 : i32
        %eq3A_901 = arith.constant 1 : i32
        %eq3A_902 = arith.cmpi eq, %select_n3A_900, %eq3A_901 : i32
        %select_n3A_903 = arith.constant 0 : i32
        %select_n3A_904 = arith.select %eq3A_902, %select_n3A_903, %select_n3A_900 : i32
        %scan3A_905 = arith.constant 0 : i32
        scf.yield %select_n3A_744, %select_n3A_889, %select_n3A_833, %select_n3A_874, %scan3A_905, %select_n3A_897 : i32, i32, i32, i32, i32, i32
      }
      %scan3A_327 = arith.constant 128 : i32
      %sub3A = arith.constant 1 : i32
      %sub3A_328 = arith.subi %scan3A_326#5, %sub3A : i32
      %select_n3A_329 = arith.constant true
      %select_n3A_330 = arith.select %select_n3A_329, %sub3A_328, %scan3A_326#5 : i32
      %eq3A_331 = arith.constant -1 : i32
      %eq3A_332 = arith.cmpi eq, %select_n3A_330, %eq3A_331 : i32
      %select_n3A_333 = arith.constant 127 : i32
      %select_n3A_334 = arith.select %eq3A_332, %select_n3A_333, %select_n3A_330 : i32
      %sub3A_335 = arith.constant 1 : i32
      %sub3A_336 = arith.subi %scan3A_326#4, %sub3A_335 : i32
      %select_n3A_337 = arith.select %eq3A_332, %sub3A_336, %scan3A_326#4 : i32
      %eq3A_338 = arith.constant -1 : i32
      %eq3A_339 = arith.cmpi eq, %select_n3A_337, %eq3A_338 : i32
      %select_n3A_340 = arith.constant 0 : i32
      %select_n3A_341 = arith.select %eq3A_339, %select_n3A_340, %select_n3A_337 : i32
      %add3A_342 = arith.constant 0 : i32
      %add3A_343 = arith.addi %add3A_342, %mul3A_6 : i32
      %add3A_344 = arith.constant 0 : i32
      %add3A_345 = arith.addi %select_n3A_334, %add3A_344 : i32
      %sub3A_346 = arith.constant 1 : i32
      %sub3A_347 = arith.subi %select_n3A_334, %sub3A_346 : i32
      %select_n3A_348 = arith.constant true
      %select_n3A_349 = arith.select %select_n3A_348, %sub3A_347, %select_n3A_334 : i32
      %eq3A_350 = arith.constant -1 : i32
      %eq3A_351 = arith.cmpi eq, %select_n3A_349, %eq3A_350 : i32
      %select_n3A_352 = arith.constant 127 : i32
      %select_n3A_353 = arith.select %eq3A_351, %select_n3A_352, %select_n3A_349 : i32
      %select_n3A_354 = arith.constant 0 : i32
      %select_n3A_355 = arith.constant -1 : i32
      %select_n3A_356 = arith.select %eq3A_351, %select_n3A_355, %select_n3A_354 : i32
      %eq3A_357 = arith.constant -1 : i32
      %eq3A_358 = arith.cmpi eq, %select_n3A_356, %eq3A_357 : i32
      %select_n3A_359 = arith.constant 0 : i32
      %select_n3A_360 = arith.select %eq3A_358, %select_n3A_359, %select_n3A_356 : i32
      %add3A_361 = arith.constant 0 : i32
      %add3A_362 = arith.addi %add3A_361, %mul3A_6 : i32
      %add3A_363 = arith.constant 0 : i32
      %add3A_364 = arith.addi %select_n3A_353, %add3A_363 : i32
      %add3A_365 = arith.constant 1 : i32
      %add3A_366 = arith.addi %select_n3A_334, %add3A_365 : i32
      %select_n3A_367 = arith.constant true
      %select_n3A_368 = arith.select %select_n3A_367, %add3A_366, %select_n3A_334 : i32
      %eq3A_369 = arith.constant 128 : i32
      %eq3A_370 = arith.cmpi eq, %select_n3A_368, %eq3A_369 : i32
      %select_n3A_371 = arith.constant 0 : i32
      %select_n3A_372 = arith.select %eq3A_370, %select_n3A_371, %select_n3A_368 : i32
      %select_n3A_373 = arith.constant 0 : i32
      %select_n3A_374 = arith.constant 1 : i32
      %select_n3A_375 = arith.select %eq3A_370, %select_n3A_374, %select_n3A_373 : i32
      %eq3A_376 = arith.constant 1 : i32
      %eq3A_377 = arith.cmpi eq, %select_n3A_375, %eq3A_376 : i32
      %select_n3A_378 = arith.constant 0 : i32
      %select_n3A_379 = arith.select %eq3A_377, %select_n3A_378, %select_n3A_375 : i32
      %add3A_380 = arith.constant 0 : i32
      %add3A_381 = arith.addi %add3A_380, %mul3A_6 : i32
      %add3A_382 = arith.constant 0 : i32
      %add3A_383 = arith.addi %select_n3A_372, %add3A_382 : i32
      %add3A_384 = arith.constant 1 : i32
      %add3A_385 = arith.addi %select_n3A_372, %add3A_384 : i32
      %select_n3A_386 = arith.constant true
      %select_n3A_387 = arith.select %select_n3A_386, %add3A_385, %select_n3A_372 : i32
      %eq3A_388 = arith.constant 128 : i32
      %eq3A_389 = arith.cmpi eq, %select_n3A_387, %eq3A_388 : i32
      %select_n3A_390 = arith.constant 0 : i32
      %select_n3A_391 = arith.select %eq3A_389, %select_n3A_390, %select_n3A_387 : i32
      %select_n3A_392 = arith.constant 0 : i32
      %select_n3A_393 = arith.constant 1 : i32
      %select_n3A_394 = arith.select %eq3A_389, %select_n3A_393, %select_n3A_392 : i32
      %eq3A_395 = arith.constant 1 : i32
      %eq3A_396 = arith.cmpi eq, %select_n3A_394, %eq3A_395 : i32
      %select_n3A_397 = arith.constant 0 : i32
      %select_n3A_398 = arith.select %eq3A_396, %select_n3A_397, %select_n3A_394 : i32
      %add3A_399 = arith.constant 0 : i32
      %add3A_400 = arith.addi %add3A_399, %mul3A_6 : i32
      %add3A_401 = arith.constant 0 : i32
      %add3A_402 = arith.addi %select_n3A_391, %add3A_401 : i32
      %add3A_403 = arith.constant 1 : i32
      %add3A_404 = arith.addi %select_n3A_391, %add3A_403 : i32
      %select_n3A_405 = arith.constant true
      %select_n3A_406 = arith.select %select_n3A_405, %add3A_404, %select_n3A_391 : i32
      %eq3A_407 = arith.constant 128 : i32
      %eq3A_408 = arith.cmpi eq, %select_n3A_406, %eq3A_407 : i32
      %select_n3A_409 = arith.constant 0 : i32
      %select_n3A_410 = arith.select %eq3A_408, %select_n3A_409, %select_n3A_406 : i32
      %select_n3A_411 = arith.constant 0 : i32
      %select_n3A_412 = arith.constant 1 : i32
      %select_n3A_413 = arith.select %eq3A_408, %select_n3A_412, %select_n3A_411 : i32
      %eq3A_414 = arith.constant 1 : i32
      %eq3A_415 = arith.cmpi eq, %select_n3A_413, %eq3A_414 : i32
      %select_n3A_416 = arith.constant 0 : i32
      %select_n3A_417 = arith.select %eq3A_415, %select_n3A_416, %select_n3A_413 : i32
      %add3A_418 = arith.constant 0 : i32
      %add3A_419 = arith.addi %add3A_418, %mul3A_6 : i32
      %add3A_420 = arith.constant 0 : i32
      %add3A_421 = arith.addi %select_n3A_410, %add3A_420 : i32
      %add3A_422 = arith.constant 1 : i32
      %add3A_423 = arith.addi %select_n3A_410, %add3A_422 : i32
      %select_n3A_424 = arith.constant true
      %select_n3A_425 = arith.select %select_n3A_424, %add3A_423, %select_n3A_410 : i32
      %eq3A_426 = arith.constant 128 : i32
      %eq3A_427 = arith.cmpi eq, %select_n3A_425, %eq3A_426 : i32
      %select_n3A_428 = arith.constant 0 : i32
      %select_n3A_429 = arith.select %eq3A_427, %select_n3A_428, %select_n3A_425 : i32
      %select_n3A_430 = arith.constant 0 : i32
      %select_n3A_431 = arith.constant 1 : i32
      %select_n3A_432 = arith.select %eq3A_427, %select_n3A_431, %select_n3A_430 : i32
      %eq3A_433 = arith.constant 1 : i32
      %eq3A_434 = arith.cmpi eq, %select_n3A_432, %eq3A_433 : i32
      %select_n3A_435 = arith.constant 0 : i32
      %select_n3A_436 = arith.select %eq3A_434, %select_n3A_435, %select_n3A_432 : i32
      %add3A_437 = arith.constant 0 : i32
      %add3A_438 = arith.addi %add3A_437, %mul3A_6 : i32
      %add3A_439 = arith.constant 0 : i32
      %add3A_440 = arith.addi %select_n3A_429, %add3A_439 : i32
      %add3A_441 = arith.constant 1 : i32
      %add3A_442 = arith.addi %select_n3A_429, %add3A_441 : i32
      %select_n3A_443 = arith.constant true
      %select_n3A_444 = arith.select %select_n3A_443, %add3A_442, %select_n3A_429 : i32
      %eq3A_445 = arith.constant 128 : i32
      %eq3A_446 = arith.cmpi eq, %select_n3A_444, %eq3A_445 : i32
      %select_n3A_447 = arith.constant 0 : i32
      %select_n3A_448 = arith.select %eq3A_446, %select_n3A_447, %select_n3A_444 : i32
      %select_n3A_449 = arith.constant 0 : i32
      %select_n3A_450 = arith.constant 1 : i32
      %select_n3A_451 = arith.select %eq3A_446, %select_n3A_450, %select_n3A_449 : i32
      %eq3A_452 = arith.constant 1 : i32
      %eq3A_453 = arith.cmpi eq, %select_n3A_451, %eq3A_452 : i32
      %select_n3A_454 = arith.constant 0 : i32
      %select_n3A_455 = arith.select %eq3A_453, %select_n3A_454, %select_n3A_451 : i32
      %add3A_456 = arith.constant 0 : i32
      %add3A_457 = arith.addi %add3A_456, %mul3A_6 : i32
      %add3A_458 = arith.constant 0 : i32
      %add3A_459 = arith.addi %select_n3A_448, %add3A_458 : i32
      %add3A_460 = arith.constant 1 : i32
      %add3A_461 = arith.addi %select_n3A_448, %add3A_460 : i32
      %select_n3A_462 = arith.constant true
      %select_n3A_463 = arith.select %select_n3A_462, %add3A_461, %select_n3A_448 : i32
      %eq3A_464 = arith.constant 128 : i32
      %eq3A_465 = arith.cmpi eq, %select_n3A_463, %eq3A_464 : i32
      %select_n3A_466 = arith.constant 0 : i32
      %select_n3A_467 = arith.select %eq3A_465, %select_n3A_466, %select_n3A_463 : i32
      %select_n3A_468 = arith.constant 0 : i32
      %select_n3A_469 = arith.constant 1 : i32
      %select_n3A_470 = arith.select %eq3A_465, %select_n3A_469, %select_n3A_468 : i32
      %eq3A_471 = arith.constant 1 : i32
      %eq3A_472 = arith.cmpi eq, %select_n3A_470, %eq3A_471 : i32
      %select_n3A_473 = arith.constant 0 : i32
      %select_n3A_474 = arith.select %eq3A_472, %select_n3A_473, %select_n3A_470 : i32
      %add3A_475 = arith.constant 0 : i32
      %add3A_476 = arith.addi %add3A_475, %mul3A_6 : i32
      %add3A_477 = arith.constant 0 : i32
      %add3A_478 = arith.addi %select_n3A_467, %add3A_477 : i32
      %add3A_479 = arith.constant 1 : i32
      %add3A_480 = arith.addi %select_n3A_467, %add3A_479 : i32
      %select_n3A_481 = arith.constant true
      %select_n3A_482 = arith.select %select_n3A_481, %add3A_480, %select_n3A_467 : i32
      %eq3A_483 = arith.constant 128 : i32
      %eq3A_484 = arith.cmpi eq, %select_n3A_482, %eq3A_483 : i32
      %select_n3A_485 = arith.constant 0 : i32
      %select_n3A_486 = arith.select %eq3A_484, %select_n3A_485, %select_n3A_482 : i32
      %select_n3A_487 = arith.constant 0 : i32
      %select_n3A_488 = arith.constant 1 : i32
      %select_n3A_489 = arith.select %eq3A_484, %select_n3A_488, %select_n3A_487 : i32
      %eq3A_490 = arith.constant 1 : i32
      %eq3A_491 = arith.cmpi eq, %select_n3A_489, %eq3A_490 : i32
      %select_n3A_492 = arith.constant 0 : i32
      %select_n3A_493 = arith.select %eq3A_491, %select_n3A_492, %select_n3A_489 : i32
      %add3A_494 = arith.constant 0 : i32
      %add3A_495 = arith.addi %add3A_494, %mul3A_6 : i32
      %add3A_496 = arith.constant 0 : i32
      %add3A_497 = arith.addi %select_n3A_486, %add3A_496 : i32
      %add3A_498 = arith.constant 1 : i32
      %add3A_499 = arith.addi %select_n3A_486, %add3A_498 : i32
      %select_n3A_500 = arith.constant true
      %select_n3A_501 = arith.select %select_n3A_500, %add3A_499, %select_n3A_486 : i32
      %eq3A_502 = arith.constant 128 : i32
      %eq3A_503 = arith.cmpi eq, %select_n3A_501, %eq3A_502 : i32
      %select_n3A_504 = arith.constant 0 : i32
      %select_n3A_505 = arith.select %eq3A_503, %select_n3A_504, %select_n3A_501 : i32
      %select_n3A_506 = arith.constant 0 : i32
      %select_n3A_507 = arith.constant 1 : i32
      %select_n3A_508 = arith.select %eq3A_503, %select_n3A_507, %select_n3A_506 : i32
      %eq3A_509 = arith.constant 1 : i32
      %eq3A_510 = arith.cmpi eq, %select_n3A_508, %eq3A_509 : i32
      %select_n3A_511 = arith.constant 0 : i32
      %select_n3A_512 = arith.select %eq3A_510, %select_n3A_511, %select_n3A_508 : i32
      %add3A_513 = arith.constant 0 : i32
      %add3A_514 = arith.addi %add3A_513, %mul3A_6 : i32
      %add3A_515 = arith.constant 0 : i32
      %add3A_516 = arith.addi %select_n3A_505, %add3A_515 : i32
      "tpu.trace_start"() <{level = 10 : i32, message = "ep_finalize"}> : () -> ()
      %rem3A_517 = arith.constant 2 : i32
      %rem3A_518 = arith.remui %scan3A_326#3, %rem3A_517 : i32
      %mul3A_519 = arith.constant 128 : i32
      %mul3A_520 = arith.muli %add3A_343, %mul3A_519 : i32
      %add3A_521 = arith.addi %mul3A_520, %add3A_345 : i32
      %mul3A_522 = arith.constant 4 : i32
      %mul3A_523 = arith.muli %mul3A_522, %add3A_521 : i32
      %dma_wait3A = arith.constant 0 : i32
      %dma_wait3A_524 = arith.constant 0 : i32
      %dma_wait3A_525 = tpu.memref_slice %run_scoped3A_8[%rem3A_518, %dma_wait3A, %dma_wait3A_524] : memref<2x4x2048xf32, #tpu.memory_space<vmem>> -> memref<1x4x2048xf32, #tpu.memory_space<vmem>>
      %dma_wait3A_526 = tpu.memref_squeeze %dma_wait3A_525 : memref<1x4x2048xf32, #tpu.memory_space<vmem>> -> memref<4x2048xf32, #tpu.memory_space<vmem>>
      %dma_wait3A_527 = arith.constant 0 : i32
      %dma_wait3A_528 = tpu.memref_slice %arg4[%mul3A_523, %dma_wait3A_527] : memref<16384x2048xf32, #tpu.memory_space<hbm>> -> memref<4x2048xf32, #tpu.memory_space<hbm>>
      %dma_wait3A_529 = tpu.memref_slice %run_scoped3A_9[%rem3A_518] : memref<2x!tpu.dma_semaphore, #tpu.memory_space<semaphore_mem>> -> memref<1x!tpu.dma_semaphore, #tpu.memory_space<semaphore_mem>>
      %dma_wait3A_530 = tpu.memref_squeeze %dma_wait3A_529 : memref<1x!tpu.dma_semaphore, #tpu.memory_space<semaphore_mem>> -> memref<!tpu.dma_semaphore, #tpu.memory_space<semaphore_mem>>
      %dma_wait3A_531 = arith.constant 0 : i32
      %dma_wait3A_532 = tpu.memref_slice %arg4[%mul3A_523, %dma_wait3A_531] : memref<16384x2048xf32, #tpu.memory_space<hbm>> -> memref<4x2048xf32, #tpu.memory_space<hbm>>
      %dma_wait3A_533 = arith.constant 0 : i32
      %dma_wait3A_534 = arith.constant 0 : i32
      %dma_wait3A_535 = tpu.memref_slice %run_scoped3A_8[%rem3A_518, %dma_wait3A_533, %dma_wait3A_534] : memref<2x4x2048xf32, #tpu.memory_space<vmem>> -> memref<1x4x2048xf32, #tpu.memory_space<vmem>>
      %dma_wait3A_536 = tpu.memref_squeeze %dma_wait3A_535 : memref<1x4x2048xf32, #tpu.memory_space<vmem>> -> memref<4x2048xf32, #tpu.memory_space<vmem>>
      tpu.wait_dma2 semaphore(%dma_wait3A_530 : memref<!tpu.dma_semaphore, #tpu.memory_space<semaphore_mem>>) src(%dma_wait3A_536 : memref<4x2048xf32, #tpu.memory_space<vmem>>) dst(%dma_wait3A_532 : memref<4x2048xf32, #tpu.memory_space<hbm>>)
      "tpu.trace_stop"() : () -> ()
      tpu.yield
    }) : () -> ()
    return
  }
}

</mosaic_0001>

<sc_bundles>
// kernel: kernel.3.cloned.1.call-start
scs
__scs_entry_jumppad:
0x0: {  	(pc) =	sbr.rel $0x88, $3  }
0x1: {  	(tag) =	ssettag $0x0;
	lr =	simm.s32 $0x1  }
0x2: {  	[smem:$0x3F9F] =	sst lr;
	_ =	strace $0xD0000000  }
0x3: {  	_ = 	snop  }
0x4: {  	_ = 	snop  }
0x5: {  	_ = 	snop  }
0x6: {  	_ = 	snop  }
0x7: {  	_ = 	snop  }
__scs_overlays_trampoline_lowered:
0x8: {  	[smem:$0x3FAE] =	sst s0  }
0x9: {  	[smem:$0x3FAF] =	sst s1  }
0xa: {  	[smem:$0x3FB0] =	sst s2  }
0xb: {  	[smem:$0x3FB1] =	sst s3  }
0xc: {  	[smem:$0x3FB2] =	sst s4  }
0xd: {  	[smem:$0x3FB3] =	sst s5  }
0xe: {  	[smem:$0x3FB4] =	sst s6  }
0xf: {  	[smem:$0x3FB5] =	sst s7  }
0x10: {  	[smem:$0x3FB6] =	sst s8  }
0x11: {  	[smem:$0x3FB7] =	sst s9;
	s0 =	simm.s32 @!p0 $0x0  }
0x12: {  	s1 =	sld [smem:$0x3F9D];
	s0 =	simm.s32 @p0 $0x1  }
0x13: {  	[smem:$0x3FB8] =	sst s0;
	s0 =	simm.s32 @!p1 $0x0  }
0x14: {  	s2 =	sld [smem:$0x3F9C];
	s0 =	simm.s32 @p1 $0x1  }
0x15: {  	[smem:$0x3FB9] =	sst s0;
	s0 =	simm.s32 @!p2 $0x0  }
0x16: {  	s3 =	sld [smem:$0x3FDB];
	s0 =	simm.s32 @p2 $0x1  }
0x17: {  	s4 =	simm.s32 $0x1BF5;
	[smem:$0x3FBB] =	sst s0  }
0x18: {  	s0 =	sld [smem:$0x3F9E];
	_ =	swait.ge [sflag:s4], $0x0  }
0x19: {  	s7 =	sld [smem:$0x3F9F]  }
0x1a: {  	s8 =	sadd.s32 $0xFFFFE003, lr  }
0x1b: {  	s9 =	sadd.s32 $0xFFFFFEF7, lr;
	s5 =	simm.s32 $0xFFFFFFFF;
	p2 =	slt.u32 s8, $0xFFFFF086  }
0x1c: {  	p1 =	slt.u32 s9, $0xF7A;
	s5 =	simm.s32 @!p2 $0x0  }
0x1d: {  	s5 =	simm.s32 @p1 $0x1;
	p0 =	seq.s32 s7, s2  }
0x1e: {  	s7 =	smul.u32 @!p0 $0xF7A, s2;
	p2 =	seq.s32 @!p0 s5, $0x0  }
0x1f: {  	s9 =	smul.u32 $0xF7A, s1;
	s8 =	simm.s32 @!p0 $0x1BF5;
	p2 =	por !p2, p0  }
0x20: {  	[sflag:s8] =	ssyncset.s32 @!p0 $0xFFFFF086;
	s6 =	sadd.s32 @!p0 s3, s7;
	s7 =	simm.s32 @!p0 $0x108  }
0x21: {  	s3 =	sadd.s32 s3, s9;
	s6 =	sadd.s32 @!p0 $0x88, s6;
	s7 =	simm.s32 @p2 $0x1082  }
0x22: {  	[simem:s7], [sflag:s8] =	dma.local @!p0 [hbm:s6], $0xF7A  }
0x23: {  	s9 =	sor.u32 $0xD0000000, s2;
	s6 =	simm.s32 $0x108;
	_ =	swait.ge @!p0 [sflag:s8], $0x0  }
0x24: {  	s3 =	sadd.s32 $0x88, s3;
	s6 =	simm.s32 @!p1 $0x1082;
	[sflag:s4] =	ssyncset.s32 $0xFFFFF086  }
0x25: {  	[simem:s6], [sflag:s4] =	dma.local [hbm:s3], $0xF7A  }
0x26: {  	[smem:$0x3F9F] =	sst s1;
	(tag) =	ssettag s2;
	_ =	strace s9  }
0x27: {  	s1 =	sld [smem:$0x3FAF]  }
0x28: {  	s2 =	sld [smem:$0x3FB0]  }
0x29: {  	s4 =	sld [smem:$0x3FB2]  }
0x2a: {  	p0 =	seq.s32 s5, $0x0;
	s5 =	sld [smem:$0x3FB3]  }
0x2b: {  	s6 =	sld [smem:$0x3FB4]  }
0x2c: {  	s7 =	sld [smem:$0x3FB5]  }
0x2d: {  	s3 =	simm.s32 $0x108;
	s8 =	sld [smem:$0x3FB6]  }
0x2e: {  	s3 =	simm.s32 @!p0 $0x1082;
	s9 =	sld [smem:$0x3FB7]  }
0x2f: {  	lr =	sadd.s32 s0, s3;
	s0 =	sld [smem:$0x3FAE]  }
0x30: {  	s3 =	sld [smem:$0x3FB1]  }
0x31: {  	[smem:$0x3FBA] =	sst s10  }
0x32: {  	s10 =	sld [smem:$0x3FB8];
	_ =	sdelay $0x3  }
0x33: {  	p0 =	seq.s32 s10, $0x1;
	s10 =	sld [smem:$0x3FBA];
	_ =	sdelay $0x3  }
0x34: {  	[smem:$0x3FBA] =	sst s10  }
0x35: {  	s10 =	sld [smem:$0x3FB9];
	_ =	sdelay $0x3  }
0x36: {  	p1 =	seq.s32 s10, $0x1;
	s10 =	sld [smem:$0x3FBA];
	_ =	sdelay $0x3  }
0x37: {  	[smem:$0x3FBA] =	sst s10  }
0x38: {  	s10 =	sld [smem:$0x3FBB]  }
0x39: {  	_ = 	snop;
	(pc) =	sbr.ind lr, $3  }
0x3a: {  	_ = 	snop  }
0x3b: {  	_ = 	snop  }
0x3c: {  	p2 =	seq.s32 s10, $0x1;
	s10 =	sld [smem:$0x3FBA]  }
0x3d: {  	_ =	shalt  }
0x3e: {  	_ =	shalt  }
0x3f: {  	_ =	shalt  }
0x40: {  	_ =	shalt  }
0x41: {  	_ =	shalt  }
0x42: {  	_ =	shalt  }
0x43: {  	_ =	shalt  }
0x44: {  	_ =	shalt  }
0x45: {  	_ =	shalt  }
0x46: {  	_ =	shalt  }
0x47: {  	_ =	shalt  }
0x48: {  	_ =	shalt  }
0x49: {  	_ =	shalt  }
0x4a: {  	_ =	shalt  }
0x4b: {  	_ =	shalt  }
0x4c: {  	_ =	shalt  }
0x4d: {  	_ =	shalt  }
0x4e: {  	_ =	shalt  }
0x4f: {  	_ =	shalt  }
0x50: {  	_ =	shalt  }
0x51: {  	_ =	shalt  }
0x52: {  	_ =	shalt  }
0x53: {  	_ =	shalt  }
0x54: {  	_ =	shalt  }
0x55: {  	_ =	shalt  }
0x56: {  	_ =	shalt  }
0x57: {  	_ =	shalt  }
0x58: {  	_ =	shalt  }
0x59: {  	_ =	shalt  }
0x5a: {  	_ =	shalt  }
0x5b: {  	_ =	shalt  }
0x5c: {  	_ =	shalt  }
0x5d: {  	_ =	shalt  }
0x5e: {  	_ =	shalt  }
0x5f: {  	_ =	shalt  }
0x60: {  	_ =	shalt  }
0x61: {  	_ =	shalt  }
0x62: {  	_ =	shalt  }
0x63: {  	_ =	shalt  }
0x64: {  	_ =	shalt  }
0x65: {  	_ =	shalt  }
0x66: {  	_ =	shalt  }
0x67: {  	_ =	shalt  }
0x68: {  	_ =	shalt  }
0x69: {  	_ =	shalt  }
0x6a: {  	_ =	shalt  }
0x6b: {  	_ =	shalt  }
0x6c: {  	_ =	shalt  }
0x6d: {  	_ =	shalt  }
0x6e: {  	_ =	shalt  }
0x6f: {  	_ =	shalt  }
0x70: {  	_ =	shalt  }
0x71: {  	_ =	shalt  }
0x72: {  	_ =	shalt  }
0x73: {  	_ =	shalt  }
0x74: {  	_ =	shalt  }
0x75: {  	_ =	shalt  }
0x76: {  	_ =	shalt  }
0x77: {  	_ =	shalt  }
0x78: {  	_ =	shalt  }
0x79: {  	_ =	shalt  }
0x7a: {  	_ =	shalt  }
0x7b: {  	_ =	shalt  }
0x7c: {  	_ =	shalt  }
0x7d: {  	_ =	shalt  }
0x7e: {  	_ =	shalt  }
0x7f: {  	_ =	shalt  }
0x80: {  	_ =	shalt  }
0x81: {  	_ =	shalt  }
0x82: {  	_ =	shalt  }
0x83: {  	_ =	shalt  }
0x84: {  	_ =	shalt  }
0x85: {  	_ =	shalt  }
0x86: {  	_ =	shalt  }
0x87: {  	_ =	shalt  }
.Lfunc_end0:
.L_simem_size_0:
called_computation_lowered:
.L_overlay_start_0:
0x88: {  	s2 =	sld [smem:$0x3FD9]  }
0x89: {  	s3 =	sld [smem:$0x3FFE];
	_ =	sdelay $0x1  }
0x8a: {  	s1 =	srdreg.scid  }
0x8b: {  	s0 =	sand.u32 $0x1, s1  }
0x8c: {  	s15 =	sshll.u32 s0, $0xA;
	s2 =	sadd.s32 s3, s2  }
0x8d: {  	s2 =	sadd.s32 s2, s15  }
0x8e: {  	[smem:$0x3FC6] =	sst s2  }
0x8f: {  	_ = 	snop  }
0x90: {  	s2 =	sld [smem:$0x3FD0];
	_ =	sdelay $0x1  }
0x91: {  	s16 =	sld [smem:$0x3FC9]  }
0x92: {  	s5 =	simm.s32 $0xA;
	s6 =	simm.s32 $0x10;
	s4 =	sld [smem:$0x3FC8]  }
0x93: {  	[smem:s6], [sflag:s5] =	dma.local [hbm:s2], $0x1  }
0x94: {  	_ =	swait.eq [sflag:s5], $0x1  }
0x95: {  	[sflag:s5] =	ssyncset.done $0x0  }
0x96: {  	[sflag:s5] =	ssyncadd.s32 $0xFFFFFFFF  }
0x97: {  	s17 =	sld [smem:$0x10];
	(tm) =	ssettm $0x1  }
0x98: {  	s18 =	sld [smem:$0x3FFB];
	_ =	sdelay $0x3  }
0x99: {  	_ =	strace s18  }
0x9a: {  	s5 =	sld [smem:$0x3FFC];
	_ =	sdelay $0x3  }
0x9b: {  	_ =	strace s5  }
0x9c: {  	s5 =	sld [smem:$0x3FFD];
	_ =	sdelay $0x3  }
0x9d: {  	_ =	strace s5  }
0x9e: {  	_ =	strace $0x8FFFFFFF  }
0x9f: {  	s19 =	sld [smem:$0x3FDB];
	_ =	sdelay $0x1  }
0xa0: {  	s20 =	simm.s32 $_scs_section_size  }
0xa1: {  	s7 =	simm.s32 $_size__tile_overlayer_lowered;
	s8 =	simm.s32 $_tile_overlayer_lowered  }
0xa2: {  	s23 =	simm.s32 $0x1BFF;
	s22 =	sshll.u32 s8, $0x1;
	s5 =	sadd.s32 s20, s19  }
0xa3: {  	s9 =	simm.s32 $0x0;
	s21 =	sshll.u32 s7, $0x1;
	s7 =	sadd.s32 s22, s5  }
0xa4: {  	[timem:s9], [sflag:s23] =	dma.local [hbm:s7], s21  }
0xa5: {  	_ =	swait.ge [sflag:s23], s21  }
0xa6: {  	s6 =	ssub.s32 $0x0, s21;
	[sflag:s23] =	ssyncset.done $0x0  }
0xa7: {  	[sflag:s23] =	ssyncadd.s32 s6;
	_ =	sdelay $0x1  }
0xa8: {  	s24 =	simm.s32 $0x1B8B  }
0xa9: {  	_ =	swait.ge [sflag:s24], $0x1  }
0xaa: {  	[sflag:s24] =	ssyncset.done $0x0  }
0xab: {  	s25 =	simm.s32 $0x1B8E;
	[sflag:s24] =	ssyncadd.s32 $0xFFFFFFFF  }
0xac: {  	s26 =	simm.s32 $execute0_lowered;
	[smem:$0x3FD2] =	sst s25  }
0xad: {  	s6 =	sshll.u32 s26, $0x1;
	_ =	strace $0x80000046;
	[dreg:$0x1] =	wrdreg $0xFFFFFFFF  }
0xae: {  	s28 =	simm.s32 $_size_execute0_lowered;
	s5 =	sadd.s32 s5, s6;
	[dreg:$0x0] =	wrdreg $0x0  }
0xaf: {  	s6 =	sshll.u32 s28, $0x1;
	[dreg:$0x2] =	wrdreg s5  }
0xb0: {  	[dreg:$0x3] =	wrdreg s6  }
0xb1: {  	[dreg:$0x4] =	wrdreg $0xC0  }
0xb2: {  	_ =	task [dreg:s9], $0x5FFFF  }
0xb3: {  	[dreg:$0x1] =	wrdreg $0xFFFFFFFF  }
0xb4: {  	[dreg:$0x0] =	wrdreg $0x60  }
0xb5: {  	[dreg:$0x2] =	wrdreg s16  }
0xb6: {  	[dreg:$0x3] =	wrdreg s4  }
0xb7: {  	[dreg:$0x4] =	wrdreg s17  }
0xb8: {  	[dreg:$0x5] =	wrdreg $0x9  }
0xb9: {  	_ =	task.clear_ibuf [dreg:s9], $0x6FFFF;
	_ =	strace $0x90000046  }
0xba: {  	s29 =	simm.s32 $0x9;
	_ =	strace $0x80000055  }
0xbb: {  	_ =	swait.ge [sflag:s29], $0x1  }
0xbc: {  	[sflag:s29] =	ssyncadd.s32 $0xFFFFFFFF  }
0xbd: {  	_ =	strace $0x90000055  }
0xbe: {  	_ =	sfence  }
0xbf: {  	s30 =	sld [smem:$0x0];
	_ =	sdelay $0x2  }
0xc0: {  	s31 =	sshll.u32 s1, $0xD;
	s1 =	sshrl.u32 s1, $0x2  }
0xc1: {  	s3 =	sand.u32 $0x4000, s31;
	s1 =	sadd.s32 s1, s30  }
0xc2: {  	s0 =	sor.u32 s3, s0;
	s1 =	sshll.u32 s1, $0x11  }
0xc3: {  	s0 =	sor.u32 s1, s0  }
0xc4: {  	s0 =	sadd.s32 $0x8F2B, s0  }
0xc5: {  	[sflag:s0] =	ssyncadd.remote.s32 $0x1  }
0xc6: {  	_ =	sfence.sel $0xFFFF  }
0xc7: {  	[dreg:$0x0] =	wrdreg $0xFFFFFFFF;
	(pc) =	sbr.abs _section_cstart, $3  }
0xc8: {  	[dreg:$0x1] =	wrdreg $0xFFFFFFFF  }
0xc9: {  	_ =	task.clear_ibuf [dreg:s9], $0x2FFFF;
	_ =	strace $0x9FFFFFFF  }
0xca: {  	(tm) =	ssettm $0x7FFFFFFF  }
0xcb: {  	_ =	shalt  }
tec
execute0_lowered:
.L_overlay_start_1:
0x0: {  	(tag) =	ssettag $0x1  }
0x1: {  	s0 =	srdreg.scid  }
0x2: {  	s3 =	rddreg [dreg:$0x0];
	s4 =	simm.s32 $0x0;
	s0 =	sand.u32 $0x1, s0  }
0x3: {  	s2 =	stileid.u32;
	[smem:$0x7FF] =	sst s4;
	s1 =	sshll.u32 s0, $0x4  }
0x4: {  	s0 =	ssub.s32 $0x2, s0;
	_ =	strace $0x80000047;
	s1 =	sor.u32 s2, s1  }
0x5: {  	s22 =	sshrl.u32 s0, $0x1;
	s23 =	sshll.u32 s1, $0x11;
	s6 =	sshll.u32 s1, $0x7  }
0x6: {  	s0 =	ssub.s32 s0, s22;
	s24 =	sadd.s32 s3, s23;
	[dreg:$0x5] =	wrdreg s6  }
0x7: {  	s0 =	smax.u32 s0, $0x1;
	[dreg:$0x4] =	wrdreg s24  }
0x8: {  	s25 =	sadd.s32 $0x40, s24;
	[dreg:$0xc] =	wrdreg s0  }
0x9: {  	s26 =	sadd.s32 $0x800, s24;
	[dreg:$0x6] =	wrdreg s25  }
0xa: {  	s28 =	sadd.s32 $0x840, s24;
	[dreg:$0x7] =	wrdreg s26  }
0xb: {  	s29 =	sadd.s32 $0x1000, s24;
	[dreg:$0x8] =	wrdreg s28  }
0xc: {  	s30 =	sadd.s32 $0x1040, s24;
	[dreg:$0x9] =	wrdreg s29  }
0xd: {  	s31 =	sadd.s32 $0x1800, s24;
	[dreg:$0xa] =	wrdreg s30  }
0xe: {  	s1 =	simm.s32 $0x0;
	[dreg:$0xb] =	wrdreg s31  }
.LBB2_1:
0xf: {  	[dreg:$0xd] =	wrdreg s1  }
0x10: {  	s0 =	rddreg [dreg:$0x1];
	s11 =	simm.s32 $0x0;
	s12 =	simm.s32 $0x1  }
0x11: {  	[tilespmem:s11], [sflag:$0x1] =	stream.linear.gather [hbm4b:s0+s11], $0x800, $0x38;
	[tilespmem:$0x14800] =	vst v63  }
0x12: {  	_ =	swait.ge [sflag:s12], $0x800  }
0x13: {  	[sflag:s12] =	ssyncset.done $0x0  }
0x14: {  	[sflag:s12] =	ssyncadd.s32 $0xFFFFF800  }
0x15: {  	s14 =	simm.s32 $0x200;
	_ =	strace $0x80000048  }
0x16: {  	s2 =	simm.s32 $0x400;
	s3 =	simm.s32 $0x800;
	s13 =	rddreg [dreg:$0x4]  }
0x17: {  	[tilespmem:s3], [sflag:$0x2] =	stream.strided.gather [hbm4b:s13+s14], $0x2000, s2, s14, $0x200038;
	[tilespmem:$0x14800] =	vst v63  }
0x18: {  	_ =	strace $0x90000048  }
0x19: {  	_ =	strace $0x80000049  }
0x1a: {  	s16 =	simm.s32 $0x2800;
	s15 =	rddreg [dreg:$0x6]  }
0x1b: {  	[tilespmem:s16], [sflag:$0x3] =	stream.strided.gather [hbm4b:s15+s14], $0x2000, s2, s14, $0x200038;
	[tilespmem:$0x14800] =	vst v63  }
0x1c: {  	_ =	strace $0x90000049  }
0x1d: {  	_ =	strace $0x8000004A  }
0x1e: {  	s18 =	simm.s32 $0x4800;
	s17 =	rddreg [dreg:$0x7]  }
0x1f: {  	[tilespmem:s18], [sflag:$0x4] =	stream.strided.gather [hbm4b:s17+s14], $0x2000, s2, s14, $0x200038;
	[tilespmem:$0x14800] =	vst v63  }
0x20: {  	_ =	strace $0x9000004A  }
0x21: {  	_ =	strace $0x8000004B  }
0x22: {  	s20 =	simm.s32 $0x6800;
	s19 =	rddreg [dreg:$0x8]  }
0x23: {  	[tilespmem:s20], [sflag:$0x5] =	stream.strided.gather [hbm4b:s19+s14], $0x2000, s2, s14, $0x200038;
	[tilespmem:$0x14800] =	vst v63  }
0x24: {  	_ =	strace $0x9000004B  }
0x25: {  	_ =	strace $0x8000004C  }
0x26: {  	s22 =	simm.s32 $0x8800;
	s21 =	rddreg [dreg:$0x9]  }
0x27: {  	[tilespmem:s22], [sflag:$0x6] =	stream.strided.gather [hbm4b:s21+s14], $0x2000, s2, s14, $0x200038;
	[tilespmem:$0x14800] =	vst v63  }
0x28: {  	_ =	strace $0x9000004C  }
0x29: {  	_ =	strace $0x8000004D  }
0x2a: {  	s24 =	simm.s32 $0xA800;
	s23 =	rddreg [dreg:$0xa]  }
0x2b: {  	[tilespmem:s24], [sflag:$0x7] =	stream.strided.gather [hbm4b:s23+s14], $0x2000, s2, s14, $0x200038;
	[tilespmem:$0x14800] =	vst v63  }
0x2c: {  	s26 =	simm.s32 $0xC800;
	_ =	strace $0x9000004D  }
0x2d: {  	s4 =	simm.s32 $0x0;
	s28 =	simm.s32 $0x0;
	_ =	strace $0x8000004E  }
0x2e: {  	s29 =	simm.s32 $0x0;
	s30 =	simm.s32 $0x0;
	s25 =	rddreg [dreg:$0xb]  }
0x2f: {  	[tilespmem:s26], [sflag:$0x8] =	stream.strided.gather [hbm4b:s25+s14], $0x2000, s2, s14, $0x200038;
	[tilespmem:$0x14800] =	vst v63  }
0x30: {  	s31 =	simm.s32 $0x0;
	s26 =	simm.s32 $0x7;
	_ =	strace $0x9000004E  }
.LBB2_2:
0x31: {  	s0 =	sadd.s32 $0x1, s4  }
0x32: {  	p0 =	seq.s32 s0, $0x80  }
0x33: {  	s0 =	simm.s32 @p0 $0x0  }
0x34: {  	p0 =	seq.s32 s0, $0x7F;
	s1 =	sadd.s32 $0x2, s0  }
0x35: {  	s1 =	simm.s32 @p0 $0x1  }
0x36: {  	p0 =	seq.s32 s1, $0x80;
	s1 =	sadd.s32 $0x1, s1  }
0x37: {  	s1 =	simm.s32 @p0 $0x1  }
0x38: {  	p0 =	seq.s32 s1, $0x80;
	s1 =	sadd.s32 $0x1, s1  }
0x39: {  	s1 =	simm.s32 @p0 $0x1  }
0x3a: {  	p0 =	seq.s32 s1, $0x80;
	s1 =	sadd.s32 $0x1, s1  }
0x3b: {  	s1 =	simm.s32 @p0 $0x1  }
0x3c: {  	p0 =	seq.s32 s1, $0x80  }
0x3d: {  	s1 =	simm.s32 @p0 $0x0  }
0x3e: {  	s2 =	sadd.s32 $0x1, s1  }
0x3f: {  	p0 =	seq.s32 s2, $0x80  }
0x40: {  	s2 =	simm.s32 @p0 $0x0  }
0x41: {  	p1 =	slt.u32 s31, $0x79;
	p0 =	sne.s32 s1, s2  }
0x42: {  	p0 =	por !p1, !p0  }
0x43: {  	p0 =	por !p0, !p0  }
0x44: {  	s1 =	sadd.s32 @p0 s6, s2  }
0x45: {  	s2 =	sshll.u32 @p0 s2, $0x9;
	s5 =	sand.u32 @p0 $0x7, s26;
	s1 =	sshll.u32 @p0 s1, $0xD  }
0x46: {  	_ =	strace @p0 $0x8000004F;
	s2 =	sand.u32 @p0 $0x200, s2;
	s1 =	sand.u32 @p0 $0xFFFFC000, s1  }
0x47: {  	s6 =	simm.s32 @p0 $0x200;
	s8 =	simm.s32 @p0 $0x400;
	s1 =	sor.u32 @p0 s2, s1  }
0x48: {  	s3 =	rddreg [dreg:$0x0];
	s2 =	sshll.u32 @p0 s5, $0xD;
	s1 =	sshrl.u32 @p0 s1, $0x3  }
0x49: {  	s5 =	sadd.s32 @p0 $0x2, s5;
	s2 =	sor.u32 @p0 $0x800, s2;
	s1 =	sadd.s32 @p0 s3, s1  }
0x4a: {  	[tilespmem:s2], [sflag:s5] =	stream.strided.gather @p0 [hbm4b:s1+s6], $0x2000, s8, s6, $0x200038;
	[tilespmem:$0x14800] =	vst v63  }
0x4b: {  	s5 =	sand.u32 $0x7, s30;
	_ =	strace @p0 $0x9000004F  }
0x4c: {  	s1 =	sadd.s32 $0x2, s5;
	_ =	strace $0x80000050  }
0x4d: {  	_ =	swait.ge [sflag:s1], $0x2000  }
0x4e: {  	s6 =	simm.s32 $0x0;
	[sflag:s1] =	ssyncset.done $0x0  }
0x4f: {  	s7 =	sand.u32 $0x40, s6;
	[sflag:s1] =	ssyncadd.s32 $0xFFFFE000  }
0x50: {  	s12 =	sand.u32 $0x780, s6;
	s9 =	sor.u32 $0x30, s7;
	_ =	strace $0x90000050  }
0x51: {  	s13 =	sor.u32 s9, s12;
	_ =	strace $0x80000051  }
0x52: {  	v0 =	vld [tilespmem:s13+$0x0];
	s13 =	sor.u32 $0x10, s7  }
0x53: {  	s15 =	sor.u32 $0x20, s7;
	s14 =	sor.u32 s13, s12  }
0x54: {  	s1 =	sor.u32 s15, s12;
	v1 =	vld [tilespmem:s14+$0x0]  }
0x55: {  	v2 =	vld [tilespmem:s1+$0x0];
	_ =	sdelay $0x1  }
0x56: {  	v3 =	vshll.u32 v0, $0x2  }
0x57: {  	v0 =	vand.u32 $0x7F, v0;
	v3 =	vand.u32 $0xFFFFFE00, v3  }
0x58: {  	v3 =	vor.u32 v0, v3;
	v0 =	vshll.u32 v1, $0x2  }
0x59: {  	v4 =	vshll.u32 v2, $0x2;
	v1 =	vand.u32 $0x7F, v1;
	v0 =	vand.u32 $0xFFFFFE00, v0  }
0x5a: {  	s16 =	sshll.u32 s30, $0xD;
	v2 =	vand.u32 $0x7F, v2;
	v1 =	vor.u32 v1, v0;
	v0 =	vand.u32 $0xFFFFFE00, v4  }
0x5b: {  	s1 =	sand.u32 $0xE000, s16;
	v2 =	vor.u32 v2, v0  }
0x5c: {  	s18 =	sor.u32 $0x800, s1  }
0x5d: {  	s20 =	simm.s32 $0x0;
	s2 =	sand.u32 $0x1, s29;
	v0 =	vld.idx.msk [tilespmem:v3+s18+$0x0], $0xffff  }
0x5e: {  	s10 =	simm.s32 $0x40;
	s17 =	sshll.u32 s2, $0xD;
	v6 =	vld [tilespmem:s20+$0x0];
	v4 =	vor.u32 $0x80, v3  }
0x5f: {  	s8 =	sand.u32 $0x40, s10;
	s19 =	sand.u32 $0x1E00, s6;
	s5 =	sor.u32 $0x10800, s17;
	v5 =	vld.idx.msk [tilespmem:v1+s18+$0x0], $0xffff  }
0x60: {  	s21 =	sand.u32 $0x780, s10;
	s12 =	sor.u32 $0x30, s8;
	s14 =	sadd.s32 s19, s5;
	v7 =	vld.idx.msk [tilespmem:v2+s18+$0x0], $0xffff  }
0x61: {  	s11 =	sor.u32 s12, s21;
	s1 =	sadd.s32 s9, s14;
	v8 =	vor.u32 $0x80, v2  }
0x62: {  	s10 =	sor.u32 $0x10, s8;
	v9 =	vld [tilespmem:s11+$0x0];
	[tilespmem:s1+$0x0] =	vst v0;
	v0 =	vor.u32 $0x80, v1  }
0x63: {  	s16 =	sor.u32 s10, s21;
	s11 =	sor.u32 $0x20, s8;
	s13 =	sadd.s32 s13, s14;
	v11 =	vshll.u32 v6, $0x2;
	v4 =	vld.idx.msk [tilespmem:v4+s18+$0x0], $0xffff  }
0x64: {  	v10 =	vld [tilespmem:s16+$0x0];
	s15 =	sadd.s32 s15, s14;
	s9 =	sor.u32 s11, s21;
	v6 =	vand.u32 $0x7F, v6;
	v11 =	vand.u32 $0xFFFFFE00, v11;
	v12 =	vor.u32 $0x100, v3;
	[tilespmem:s13+$0x0] =	vst v5  }
0x65: {  	v13 =	vld [tilespmem:s9+$0x0];
	v5 =	vor.u32 v6, v11;
	[tilespmem:s15+$0x0] =	vst v7  }
0x66: {  	v8 =	vld.idx.msk [tilespmem:v8+s18+$0x0], $0xffff  }
0x67: {  	s25 =	simm.s32 $0x80;
	v11 =	vor.u32 $0x100, v2;
	v6 =	vld.idx.msk [tilespmem:v0+s18+$0x0], $0xffff;
	v0 =	vshll.u32 v9, $0x2  }
0x68: {  	p1 =	por $0x0, $0x0;
	s19 =	sand.u32 $0x40, s25;
	v7 =	vor.u32 $0x100, v1;
	v9 =	vand.u32 $0x7F, v9;
	[tilespmem:s1+$0x80] =	vst v4;
	v14 =	vand.u32 $0xFFFFFE00, v0;
	s1 =	simm.s32 $0x1  }
0x69: {  	s3 =	sand.u32 $0x780, s25;
	s20 =	sor.u32 $0x30, s19;
	v0 =	vmov s5;
	v12 =	vld.idx.msk [tilespmem:v12+s18+$0x0], $0xffff;
	v9 =	vor.u32 v9, v14;
	s1 =	simm.s32 @!p1 $0x0  }
0x6a: {  	s16 =	sor.u32 s20, s3;
	v3 =	vor.u32 $0x180, v3;
	v4 =	vshll.u32 v10, $0x2;
	v15 =	vld.idx.msk [tilespmem:v5+s18+$0x0], $0xffff;
	s1 =	sshll.u32 s1, $0x6  }
0x6b: {  	v17 =	vld [tilespmem:s16+$0x0];
	v10 =	vand.u32 $0x7F, v10;
	v4 =	vand.u32 $0xFFFFFE00, v4;
	v14 =	vshll.u32 v13, $0x2;
	s9 =	sadd.s32 $0x0, s1;
	[tilespmem:s15+$0x80] =	vst v8  }
0x6c: {  	v14 =	vand.u32 $0xFFFFFE00, v14;
	v4 =	vor.u32 v10, v4;
	v10 =	vand.u32 $0x7F, v13;
	[tilespmem:s13+$0x80] =	vst v6;
	s13 =	sadd.s32 $0x30, s9;
	v8 =	vld.idx.msk [tilespmem:v11+s18+$0x0], $0xffff  }
0x6d: {  	v6 =	vor.u32 v10, v14;
	v7 =	vld.idx.msk [tilespmem:v7+s18+$0x0], $0xffff;
	s22 =	sor.u32 $0x100, s13  }
0x6e: {  	s24 =	simm.s32 $0x40;
	s14 =	sadd.s32 s7, s14;
	v10 =	vor.u32 $0x80, v5;
	v11 =	vld.idx.msk [tilespmem:v9+s18+$0x0], $0xffff;
	[tilespmem:v0+s22+$0x0 ss:$0x1] =	vst.idx.msk $0xffff, v12  }
0x6f: {  	v1 =	vor.u32 $0x180, v1;
	[tilespmem:s14+$0x0] =	vst v15;
	v15 =	vld [tilespmem:s24+$0x0]  }
0x70: {  	s23 =	simm.s32 $0x100;
	v12 =	vor.u32 $0x80, v9;
	v3 =	vld.idx.msk [tilespmem:v3+s18+$0x0], $0xffff  }
0x71: {  	s1 =	sand.u32 $0x1E00, s23;
	s7 =	sadd.s32 $0x10, s9;
	v13 =	vld.idx.msk [tilespmem:v4+s18+$0x0], $0xffff  }
0x72: {  	s6 =	sadd.s32 s1, s5;
	s17 =	sor.u32 $0x100, s7;
	v14 =	vld.idx.msk [tilespmem:v6+s18+$0x0], $0xffff  }
0x73: {  	s1 =	sadd.s32 s12, s6;
	v16 =	vor.u32 $0x80, v6;
	v10 =	vld.idx.msk [tilespmem:v10+s18+$0x0], $0xffff;
	[tilespmem:v0+s17+$0x0 ss:$0x1] =	vst.idx.msk $0xffff, v7  }
0x74: {  	s21 =	sor.u32 $0x10, s19;
	[tilespmem:s1+$0x0] =	vst v11;
	v11 =	vor.u32 $0x80, v4;
	v19 =	vld.idx.msk [tilespmem:v1+s18+$0x0], $0xffff  }
0x75: {  	v18 =	vor.u32 $0x100, v5;
	s23 =	sor.u32 s21, s3;
	s10 =	sadd.s32 s10, s6;
	s22 =	sor.u32 $0x20, s19;
	v1 =	vshll.u32 v15, $0x2;
	v12 =	vld.idx.msk [tilespmem:v12+s18+$0x0], $0xffff  }
0x76: {  	v20 =	vor.u32 $0x100, v9;
	s11 =	sadd.s32 s11, s6;
	s12 =	sor.u32 s22, s3;
	v7 =	vld [tilespmem:s23+$0x0];
	v15 =	vand.u32 $0x7F, v15;
	v1 =	vand.u32 $0xFFFFFE00, v1;
	[tilespmem:s10+$0x0] =	vst v13  }
0x77: {  	v2 =	vor.u32 $0x180, v2;
	v21 =	vld [tilespmem:s12+$0x0];
	v13 =	vor.u32 v15, v1;
	v1 =	vshll.u32 v17, $0x2;
	[tilespmem:s11+$0x0] =	vst v14  }
0x78: {  	v17 =	vand.u32 $0x7F, v17;
	v1 =	vand.u32 $0xFFFFFE00, v1;
	v16 =	vld.idx.msk [tilespmem:v16+s18+$0x0], $0xffff  }
0x79: {  	s23 =	sadd.s32 $0x20, s9;
	[tilespmem:s14+$0x80] =	vst v10;
	v1 =	vor.u32 v17, v1;
	v11 =	vld.idx.msk [tilespmem:v11+s18+$0x0], $0xffff  }
0x7a: {  	p1 =	por !p1, !p1;
	s24 =	sor.u32 $0x100, s23;
	v14 =	vor.u32 $0x100, v4;
	[tilespmem:s1+$0x80] =	vst v12;
	v12 =	vld.idx.msk [tilespmem:v18+s18+$0x0], $0xffff;
	s1 =	simm.s32 $0x1  }
0x7b: {  	s13 =	sor.u32 $0x180, s13;
	v9 =	vor.u32 $0x180, v9;
	[tilespmem:v0+s24+$0x0 ss:$0x1] =	vst.idx.msk $0xffff, v8;
	v15 =	vor.u32 $0x100, v6;
	v10 =	vshll.u32 v7, $0x2;
	v8 =	vld.idx.msk [tilespmem:v20+s18+$0x0], $0xffff;
	s1 =	simm.s32 @!p1 $0x0  }
0x7c: {  	s25 =	sor.u32 $0x180, s7;
	[tilespmem:v0+s13+$0x0 ss:$0x1] =	vst.idx.msk $0xffff, v3;
	v3 =	vshll.u32 v21, $0x2;
	v10 =	vand.u32 $0xFFFFFE00, v10;
	v20 =	vld.idx.msk [tilespmem:v2+s18+$0x0], $0xffff;
	v2 =	vand.u32 $0x7F, v7;
	s1 =	sshll.u32 s1, $0x6  }
0x7d: {  	s3 =	sor.u32 $0x180, s23;
	v3 =	vand.u32 $0xFFFFFE00, v3;
	[tilespmem:v0+s25+$0x0 ss:$0x1] =	vst.idx.msk $0xffff, v19;
	v22 =	vld.idx.msk [tilespmem:v13+s18+$0x0], $0xffff;
	v23 =	vor.u32 v2, v10;
	v2 =	vand.u32 $0x7F, v21;
	s1 =	sadd.s32 $0x100, s1  }
0x7e: {  	s13 =	sor.u32 $0x100, s9;
	s24 =	sor.u32 $0x180, s9;
	v21 =	vor.u32 v2, v3;
	v18 =	vld.idx.msk [tilespmem:v1+s18+$0x0], $0xffff;
	[tilespmem:s10+$0x80] =	vst v11;
	s15 =	sadd.s32 $0x30, s1  }
0x7f: {  	s9 =	sadd.s32 s8, s6;
	s14 =	simm.s32 $0xC0;
	v7 =	vor.u32 $0x100, v13;
	[tilespmem:s11+$0x80] =	vst v16;
	v14 =	vld.idx.msk [tilespmem:v14+s18+$0x0], $0xffff;
	s23 =	sor.u32 $0x100, s15  }
0x80: {  	v10 =	vor.u32 $0x80, v13;
	v2 =	vor.u32 $0x180, v5;
	s11 =	simm.s32 $0x8;
	v5 =	vor.u32 $0x180, v4;
	s7 =	sadd.s32 $0x10, s1;
	v15 =	vld.idx.msk [tilespmem:v15+s18+$0x0], $0xffff;
	s25 =	sadd.s32 $0x20, s1;
	[tilespmem:v0+s23+$0x0 ss:$0x1] =	vst.idx.msk $0xffff, v8  }
0x81: {  	v4 =	vor.u32 $0x180, v6;
	v3 =	vor.u32 $0x180, v13;
	v6 =	vor.u32 $0x100, v23;
	s8 =	sor.u32 $0x100, s1;
	s12 =	sor.u32 $0x180, s1;
	s10 =	simm.s32 $0x200;
	[tilespmem:v0+s13+$0x0 ss:$0x1] =	vst.idx.msk $0xffff, v12;
	v17 =	vld.idx.msk [tilespmem:v9+s18+$0x0], $0xffff  }
0x82: {  	v11 =	vor.u32 $0x80, v23;
	v13 =	vor.u32 $0x80, v21;
	s1 =	simm.s32 $0x80;
	s16 =	sor.u32 $0x100, s7;
	s17 =	sor.u32 $0x100, s25;
	[tilespmem:v0+s3+$0x0 ss:$0x1] =	vst.idx.msk $0xffff, v20;
	v20 =	vor.u32 $0x80, v1;
	v16 =	vld.idx.msk [tilespmem:v23+s18+$0x0], $0xffff  }
0x83: {  	s13 =	sor.u32 $0x180, s7;
	v12 =	vor.u32 $0x180, v23;
	s23 =	sor.u32 $0x180, s25;
	v8 =	vor.u32 $0x100, v21;
	[tilespmem:s9+$0x0] =	vst v22;
	s25 =	sand.u32 $0x1E00, s10;
	v9 =	vor.u32 $0x180, v21;
	v19 =	vld.idx.msk [tilespmem:v21+s18+$0x0], $0xffff  }
.LBB2_3:
0x84: {  	s3 =	sand.u32 $0x780, s14;
	v21 =	vld [tilespmem:s1+$0x0];
	s1 =	sadd.s32 s25, s5;
	[tilespmem:v0+s16+$0x0 ss:$0x1] =	vst.idx.msk $0xffff, v14;
	s6 =	smov.u32 s24  }
0x85: {  	s16 =	sand.u32 $0x40, s14;
	s11 =	sadd.s32 $0x4, s11;
	s25 =	sadd.s32 s20, s1;
	v14 =	vld.idx.msk [tilespmem:v10+s18+$0x0], $0xffff;
	[tilespmem:v0+s17+$0x0 ss:$0x1] =	vst.idx.msk $0xffff, v15  }
0x86: {  	s15 =	sor.u32 $0x180, s15;
	s20 =	sor.u32 $0x30, s16;
	p2 =	slt.u32 s11, $0x7C;
	[tilespmem:s25+$0x0] =	vst v18;
	v15 =	vld.idx.msk [tilespmem:v5+s18+$0x0], $0xffff;
	v5 =	vmov v12  }
0x87: {  	s17 =	sor.u32 $0x10, s16;
	s24 =	sor.u32 $0x20, s16;
	s7 =	sor.u32 s20, s3;
	v12 =	vld.idx.msk [tilespmem:v20+s18+$0x0], $0xffff;
	[tilespmem:v0+s15+$0x0 ss:$0x1] =	vst.idx.msk $0xffff, v17  }
0x88: {  	s15 =	sor.u32 s17, s3;
	s3 =	sor.u32 s24, s3;
	v17 =	vld [tilespmem:s7+$0x0];
	s7 =	sadd.s32 s19, s1  }
0x89: {  	s19 =	smov.u32 s16;
	v18 =	vld [tilespmem:s15+$0x0];
	v10 =	vand.u32 $0x7F, v21;
	v20 =	vshll.u32 v21, $0x2;
	s15 =	sadd.s32 s21, s1;
	s1 =	sadd.s32 s22, s1;
	v21 =	vor.u32 $0x100, v1  }
0x8a: {  	s21 =	smov.u32 s17;
	s22 =	smov.u32 s24;
	s24 =	smov.u32 s12;
	v22 =	vld [tilespmem:s3+$0x0];
	v20 =	vand.u32 $0xFFFFFE00, v20;
	[tilespmem:s15+$0x0] =	vst v16  }
0x8b: {  	v16 =	vor.u32 v10, v20;
	v11 =	vld.idx.msk [tilespmem:v11+s18+$0x0], $0xffff;
	[tilespmem:s1+$0x0] =	vst v19  }
0x8c: {  	v10 =	vor.u32 $0x80, v16;
	v19 =	vor.u32 $0x100, v16;
	v20 =	vor.u32 $0x180, v16;
	v13 =	vld.idx.msk [tilespmem:v13+s18+$0x0], $0xffff;
	[tilespmem:s9+$0x80] =	vst v14;
	s9 =	smov.u32 s7  }
0x8d: {  	p1 =	por !p1, !p1;
	s3 =	simm.s32 $0x1;
	v14 =	vshll.u32 v17, $0x2;
	[tilespmem:s25+$0x80] =	vst v12;
	v23 =	vld.idx.msk [tilespmem:v7+s18+$0x0], $0xffff;
	v7 =	vmov v19  }
0x8e: {  	s3 =	simm.s32 @!p1 $0x0;
	v17 =	vand.u32 $0x7F, v17;
	v12 =	vshll.u32 v18, $0x2;
	v14 =	vand.u32 $0xFFFFFE00, v14;
	v19 =	vld.idx.msk [tilespmem:v21+s18+$0x0], $0xffff;
	[tilespmem:v0+s13+$0x0 ss:$0x1] =	vst.idx.msk $0xffff, v15  }
0x8f: {  	s3 =	sshll.u32 s3, $0x6;
	v12 =	vand.u32 $0xFFFFFE00, v12;
	v15 =	vshll.u32 v22, $0x2;
	v17 =	vor.u32 v17, v14;
	v21 =	vld.idx.msk [tilespmem:v4+s18+$0x0], $0xffff;
	v4 =	vmovc v9  }
0x90: {  	s3 =	sadd.s32 s3, s10;
	v9 =	vand.u32 $0x7F, v18;
	v14 =	vand.u32 $0xFFFFFE00, v15;
	v24 =	vld.idx.msk [tilespmem:v16+s18+$0x0], $0xffff;
	v16 =	vor.u32 $0x180, v1;
	v1 =	vmovc v17  }
0x91: {  	s7 =	sadd.s32 $0x10, s3;
	v25 =	vor.u32 v9, v12;
	v9 =	vand.u32 $0x7F, v22;
	[tilespmem:s15+$0x80] =	vst v11;
	v22 =	vld.idx.msk [tilespmem:v2+s18+$0x0], $0xffff;
	v2 =	vmovc v3;
	v3 =	vmov v20  }
0x92: {  	s16 =	sor.u32 $0x100, s7;
	v11 =	vor.u32 $0x80, v25;
	v26 =	vor.u32 v9, v14;
	s15 =	sadd.s32 $0x30, s3;
	v14 =	vld.idx.msk [tilespmem:v6+s18+$0x0], $0xffff;
	v6 =	vor.u32 $0x100, v25;
	[tilespmem:s1+$0x80] =	vst v13;
	s1 =	sadd.s32 $0x20, s3  }
.Ltmp0:
0x93: {  	v12 =	vor.u32 $0x180, v25;
	v13 =	vor.u32 $0x80, v26;
	s12 =	sor.u32 $0x100, s15;
	v15 =	vld.idx.msk [tilespmem:v8+s18+$0x0], $0xffff;
	v8 =	vor.u32 $0x100, v26;
	s17 =	sor.u32 $0x100, s1;
	[tilespmem:v0+s8+$0x0 ss:$0x1] =	vst.idx.msk $0xffff, v23;
	(pc) =	sbr.rel @p2 .LBB2_3-.Ltmp0, $4  }
0x94: {  	s13 =	sor.u32 $0x180, s7;
	v9 =	vor.u32 $0x180, v26;
	s8 =	sor.u32 $0x100, s3;
	s1 =	sor.u32 $0x180, s1;
	v18 =	vld.idx.msk [tilespmem:v17+s18+$0x0], $0xffff;
	[tilespmem:v0+s12+$0x0 ss:$0x1] =	vst.idx.msk $0xffff, v19  }
0x95: {  	s12 =	sor.u32 $0x180, s3;
	v17 =	vld.idx.msk [tilespmem:v16+s18+$0x0], $0xffff;
	[tilespmem:v0+s23+$0x0 ss:$0x1] =	vst.idx.msk $0xffff, v21;
	s23 =	smov.u32 s1  }
0x96: {  	s10 =	sadd.s32 $0x100, s10;
	v20 =	vor.u32 $0x80, v1;
	v16 =	vld.idx.msk [tilespmem:v25+s18+$0x0], $0xffff;
	[tilespmem:s9+$0x0] =	vst v24  }
0x97: {  	s14 =	sadd.s32 $0x40, s14;
	s25 =	sand.u32 $0x1E00, s10;
	s1 =	sshra.s32 s10, $0x2;
	v19 =	vld.idx.msk [tilespmem:v26+s18+$0x0], $0xffff;
	[tilespmem:v0+s6+$0x0 ss:$0x1] =	vst.idx.msk $0xffff, v22  }
0x98: {  	v21 =	vld [tilespmem:s1+$0x0];
	_ =	sdelay $0x4  }
0x99: {  	v22 =	vshll.u32 v21, $0x2  }
0x9a: {  	v21 =	vand.u32 $0x7F, v21;
	v22 =	vand.u32 $0xFFFFFE00, v22  }
0x9b: {  	v21 =	vor.u32 v21, v22;
	_ =	sdelay $0x2  }
0x9c: {  	[tilespmem:v0+s16+$0x0 ss:$0x1] =	vst.idx.msk $0xffff, v14;
	s14 =	sadd.s32 s25, s5  }
0x9d: {  	[tilespmem:v0+s17+$0x0 ss:$0x1] =	vst.idx.msk $0xffff, v15;
	v10 =	vld.idx.msk [tilespmem:v10+s18+$0x0], $0xffff;
	s3 =	sadd.s32 s20, s14  }
0x9e: {  	s7 =	sadd.s32 s22, s14;
	[tilespmem:s3+$0x0] =	vst v18;
	v51 =	vld.idx.msk [tilespmem:v21+s18+$0x0], $0xffff  }
0x9f: {  	s6 =	sadd.s32 s21, s14;
	v18 =	vld.idx.msk [tilespmem:v20+s18+$0x0], $0xffff;
	[tilespmem:s7+$0x0] =	vst v19;
	v52 =	vor.u32 $0x80, v21  }
0xa0: {  	s11 =	sor.u32 $0x180, s15;
	v53 =	vor.u32 $0x100, v1;
	[tilespmem:s6+$0x0] =	vst v16;
	v13 =	vld.idx.msk [tilespmem:v13+s18+$0x0], $0xffff  }
0xa1: {  	[tilespmem:v0+s11+$0x0 ss:$0x1] =	vst.idx.msk $0xffff, v17;
	v11 =	vld.idx.msk [tilespmem:v11+s18+$0x0], $0xffff  }
0xa2: {  	v2 =	vld.idx.msk [tilespmem:v2+s18+$0x0], $0xffff;
	s1 =	sadd.s32 s19, s14;
	[tilespmem:s9+$0x80] =	vst v10  }
0xa3: {  	v5 =	vld.idx.msk [tilespmem:v5+s18+$0x0], $0xffff;
	[tilespmem:s1+$0x0] =	vst v51  }
0xa4: {  	p1 =	por !p1, !p1;
	[tilespmem:s3+$0x80] =	vst v18;
	s3 =	simm.s32 $0x1;
	v54 =	vld.idx.msk [tilespmem:v52+s18+$0x0], $0xffff  }
0xa5: {  	v55 =	vor.u32 $0x100, v21;
	v56 =	vld.idx.msk [tilespmem:v53+s18+$0x0], $0xffff;
	s3 =	simm.s32 @!p1 $0x0;
	[tilespmem:s7+$0x80] =	vst v13  }
0xa6: {  	v57 =	vor.u32 $0x180, v1;
	[tilespmem:s6+$0x80] =	vst v11;
	s3 =	sshll.u32 s3, $0x6;
	v58 =	vld.idx.msk [tilespmem:v8+s18+$0x0], $0xffff  }
0xa7: {  	[tilespmem:v0+s24+$0x0 ss:$0x1] =	vst.idx.msk $0xffff, v2;
	v6 =	vld.idx.msk [tilespmem:v6+s18+$0x0], $0xffff;
	s3 =	sadd.s32 s3, s10  }
0xa8: {  	v4 =	vld.idx.msk [tilespmem:v4+s18+$0x0], $0xffff;
	[tilespmem:v0+s13+$0x0 ss:$0x1] =	vst.idx.msk $0xffff, v5;
	s16 =	sadd.s32 $0x30, s3  }
0xa9: {  	v7 =	vld.idx.msk [tilespmem:v7+s18+$0x0], $0xffff;
	s20 =	sadd.s32 $0x20, s3;
	s19 =	sor.u32 $0x100, s16;
	[tilespmem:s1+$0x80] =	vst v54  }
0xaa: {  	s17 =	sadd.s32 $0x10, s3;
	s22 =	sor.u32 $0x100, s20;
	[tilespmem:v0+s19+$0x0 ss:$0x1] =	vst.idx.msk $0xffff, v56;
	v59 =	vld.idx.msk [tilespmem:v55+s18+$0x0], $0xffff  }
0xab: {  	v60 =	vor.u32 $0x180, v21;
	s21 =	sor.u32 $0x100, s17;
	v1 =	vld.idx.msk [tilespmem:v57+s18+$0x0], $0xffff;
	[tilespmem:v0+s22+$0x0 ss:$0x1] =	vst.idx.msk $0xffff, v58  }
0xac: {  	[tilespmem:v0+s21+$0x0 ss:$0x1] =	vst.idx.msk $0xffff, v6;
	v62 =	vld.idx.msk [tilespmem:v9+s18+$0x0], $0xffff  }
0xad: {  	[tilespmem:v0+s23+$0x0 ss:$0x1] =	vst.idx.msk $0xffff, v4;
	v61 =	vld.idx.msk [tilespmem:v12+s18+$0x0], $0xffff  }
0xae: {  	[tilespmem:v0+s8+$0x0 ss:$0x1] =	vst.idx.msk $0xffff, v7;
	s23 =	sor.u32 $0x100, s3  }
0xaf: {  	v3 =	vld.idx.msk [tilespmem:v3+s18+$0x0], $0xffff;
	s6 =	sor.u32 $0x180, s16;
	[tilespmem:v0+s23+$0x0 ss:$0x1] =	vst.idx.msk $0xffff, v59  }
0xb0: {  	s25 =	sor.u32 $0x180, s20;
	[tilespmem:v0+s6+$0x0 ss:$0x1] =	vst.idx.msk $0xffff, v1;
	v63 =	vld.idx.msk [tilespmem:v60+s18+$0x0], $0xffff  }
0xb1: {  	[tilespmem:v0+s25+$0x0 ss:$0x1] =	vst.idx.msk $0xffff, v62;
	s1 =	sor.u32 $0x180, s17  }
0xb2: {  	p6 =	seq.s32 s31, $0x7F;
	p2 =	sne.s32 s4, s0;
	[tilespmem:v0+s1+$0x0 ss:$0x1] =	vst.idx.msk $0xffff, v61  }
0xb3: {  	p1 =	por p6, p2;
	s6 =	rddreg [dreg:$0x5]  }
0xb4: {  	s3 =	sor.u32 $0x180, s3;
	[tilespmem:v0+s12+$0x0 ss:$0x1] =	vst.idx.msk $0xffff, v3;
	s1 =	sadd.s32 @p1 s6, s4  }
0xb5: {  	s4 =	sshll.u32 @p1 s4, $0x9;
	s1 =	sshll.u32 @p1 s1, $0xD;
	[tilespmem:v0+s3+$0x0 ss:$0x1] =	vst.idx.msk $0xffff, v63  }
0xb6: {  	s1 =	sand.u32 @p1 $0xFFFFC000, s1;
	s3 =	sand.u32 @p1 $0x200, s4;
	_ =	strace $0x90000051  }
0xb7: {  	p2 =	seq.s32 s31, $0x0;
	s1 =	sor.u32 @p1 s3, s1;
	_ =	strace @p1 $0x80000052  }
0xb8: {  	s2 =	sor.u32 @p1 $0xA, s2;
	s1 =	sshrl.u32 @p1 s1, $0x3;
	s3 =	rddreg [dreg:$0x2]  }
0xb9: {  	s4 =	simm.s32 @p1 $0x400;
	s1 =	sadd.s32 @p1 s3, s1;
	s3 =	simm.s32 @p1 $0x200  }
0xba: {  	[hbm4b:s1+s3] =	stream.strided.scatter @p1 [tilespmem:s5], [sflag:s2], $0x2000, s4, s3, $0x200038;
	[tilespmem:$0x14800] =	vst v63  }
0xbb: {  	s1 =	simm.s32 $0x1;
	s2 =	sand.u32 @!p2 $0x1, s28;
	s3 =	simm.s32 $0x1  }
0xbc: {  	s1 =	simm.s32 @!p0 $0x0;
	p0 =	sne.s32 s31, $0x0;
	s31 =	sadd.s32 $0x1, s31  }
0xbd: {  	_ =	strace @p1 $0x90000052;
	s3 =	simm.s32 @!p0 $0x0;
	p0 =	sne.s32 s31, $0x80  }
.Ltmp1:
0xbe: {  	s2 =	sor.u32 @!p2 $0xA, s2;
	_ =	strace @!p2 $0x80000053;
	(pc) =	sbr.rel @p0 .LBB2_2-.Ltmp1, $4  }
0xbf: {  	s4 =	smov.u32 s0;
	_ =	swait.ge @!p2 [sflag:s2], $0x2000  }
0xc0: {  	s26 =	sadd.s32 s1, s26;
	s1 =	simm.s32 $0x1;
	[sflag:s2] =	ssyncset.done @!p2 $0x0  }
0xc1: {  	s28 =	sadd.s32 s3, s28;
	s1 =	simm.s32 @!p1 $0x0;
	[sflag:s2] =	ssyncadd.s32 @!p2 $0xFFFFE000  }
0xc2: {  	s29 =	sadd.s32 s1, s29;
	s30 =	sadd.s32 s1, s30;
	_ =	strace @!p2 $0x90000053  }
0xc3: {  	s0 =	sand.u32 $0x1, s28  }
0xc4: {  	_ =	strace $0x80000054;
	s0 =	sor.u32 $0xA, s0  }
0xc5: {  	_ =	swait.ge [sflag:s0], $0x2000  }
0xc6: {  	s1 =	rddreg [dreg:$0xd]  }
0xc7: {  	s31 =	rddreg [dreg:$0xc];
	s1 =	sadd.s32 $0x1, s1  }
0xc8: {  	p0 =	sne.s32 s1, s31  }
.Ltmp2:
0xc9: {  	_ = 	snop;
	(pc) =	sbr.rel @p0 .LBB2_1-.Ltmp2, $4  }
0xca: {  	_ = 	snop  }
0xcb: {  	[sflag:s0] =	ssyncset.done $0x0  }
0xcc: {  	[sflag:s0] =	ssyncadd.s32 $0xFFFFE000  }
0xcd: {  	_ =	strace $0x90000054  }
0xce: {  	_ =	sfence.sel $0x180000  }
0xcf: {  	[bflag:$0x0] =	sbarrier.arrive $0xFFFF  }
0xd0: {  	_ =	strace $0x90000047  }
0xd1: {  	s0 =	stileid.u32;
	[bflag:$0x2] =	sbarrier.arrive $0xFFFF  }
0xd2: {  	p0 =	sne.s32 s0, $0x0;
	s0 =	rddreg [dreg:$0x3]  }
0xd3: {  	s0 =	sadd.s32 @!p0 $0x100000, s0  }
0xd4: {  	[sflag:s0] =	ssyncadd.tile.s32 @!p0 $0x1;
	_ =	shalt  }
.Lfunc_end2:
_tile_overlayer_lowered:
.L_overlay_start_2:
0xd5: {  	(tag) =	ssettag $0x2  }
0xd6: {  	s0 =	rddreg [dreg:$0x0];
	s2 =	stileid.u32  }
0xd7: {  	s1 =	rddreg [dreg:$0x1];
	p0 =	sne.s32 s2, $0x0  }
0xd8: {  	s3 =	rddreg [dreg:$0x2];
	[bflag:$0x3] =	sbarrier.arrive $0xFFFF;
	s2 =	simm.s32 @!p0 $0x1C02  }
0xd9: {  	[timem:s3], [sflag:s2] =	dma.local @!p0 [hbm:s0], s1  }
0xda: {  	s0 =	simm.s32 @!p0 $0x2  }
0xdb: {  	_ =	swait.ge @!p0 [sflag:s0], s1  }
0xdc: {  	s1 =	ssub.s32 @!p0 $0x0, s1;
	[sflag:s0] =	ssyncset.done @!p0 $0x0  }
0xdd: {  	[sflag:s0] =	ssyncadd.s32 @!p0 s1  }
0xde: {  	[bflag:$0x3] =	sbarrier.arrive $0xFFFF  }
0xdf: {  	_ =	shalt  }

</sc_bundles>
